<compile_context>
chip_gen: v7x
topology: tpu7x:2x2x1
jax: 0.10.2.dev20260603
libtpu: 0.0.44.dev20260713+nightly
codegen_flags: <defaults>
</compile_context>

<pallas_src>
import jax
import jax.numpy as jnp
from jax import lax
from jax.experimental import pallas as pl
from jax.experimental.pallas import tpu as pltpu
from jax.experimental.pallas import tpu_sc as plsc

_N_TOKENS = 32768
_D = 1024
_E = 8
_K = 2
_L = 16
_NC = 2
_NS = 16
_NW = _NC * _NS
_TPW = _N_TOKENS // _NW

_BT = 2048


def _gate_body(x_ref, w_ref, b_ref, out_ref):
    acc = jnp.dot(x_ref[...], w_ref[...], preferred_element_type=jnp.float32)
    out_ref[...] = (acc + b_ref[...]).T


def _gate_logits_t(x, W, b):
    return pl.pallas_call(
        _gate_body,
        grid=(_N_TOKENS // _BT,),
        in_specs=[
            pl.BlockSpec((_BT, _D), lambda i: (i, 0)),
            pl.BlockSpec((_D, _E), lambda i: (0, 0)),
            pl.BlockSpec((1, _E), lambda i: (0, 0)),
        ],
        out_specs=pl.BlockSpec((_E, _BT), lambda i: (0, i)),
        out_shape=jax.ShapeDtypeStruct((_E, _N_TOKENS), jnp.float32),
    )(x, W, b.reshape(1, _E))


def _topk_body(g_hbm, p1_hbm, p2_hbm, i1_hbm, i2_hbm,
               g_v, p1_v, p2_v, i1_v, i2_v, sem):
    wid = lax.axis_index("s") * _NC + lax.axis_index("c")
    base = wid * _TPW
    pltpu.async_copy(g_hbm.at[:, pl.ds(base, _TPW)], g_v, sem).wait()

    def step(t, carry):
        off = t * _L
        m1 = g_v[0, pl.ds(off, _L)]
        i1 = jnp.zeros((_L,), jnp.int32)
        m2 = jnp.full((_L,), -jnp.inf, jnp.float32)
        i2 = i1
        for e in range(1, _E):
            ev = jnp.full((_L,), e, jnp.int32)
            v = g_v[e, pl.ds(off, _L)]
            gt1 = v > m1
            gt2 = v > m2
            m2 = jnp.where(gt1, m1, jnp.where(gt2, v, m2))
            i2 = jnp.where(gt1, i1, jnp.where(gt2, ev, i2))
            m1 = jnp.where(gt1, v, m1)
            i1 = jnp.where(gt1, ev, i1)
        d = jnp.exp(m2 - m1)
        p1 = 1.0 / (1.0 + d)
        p1_v[pl.ds(off, _L)] = p1
        p2_v[pl.ds(off, _L)] = 1.0 - p1
        i1_v[pl.ds(off, _L)] = i1
        i2_v[pl.ds(off, _L)] = i2
        return carry

    lax.fori_loop(0, _TPW // _L, step, 0, unroll=4)
    cs = [
        pltpu.async_copy(p1_v, p1_hbm.at[pl.ds(base, _TPW)], sem),
        pltpu.async_copy(p2_v, p2_hbm.at[pl.ds(base, _TPW)], sem),
        pltpu.async_copy(i1_v, i1_hbm.at[pl.ds(base, _TPW)], sem),
        pltpu.async_copy(i2_v, i2_hbm.at[pl.ds(base, _TPW)], sem),
    ]
    for c in cs:
        c.wait()


_topk = pl.kernel(
    _topk_body,
    out_type=tuple(
        jax.ShapeDtypeStruct((_N_TOKENS,), dt)
        for dt in (jnp.float32, jnp.float32, jnp.int32, jnp.int32)),
    mesh=plsc.VectorSubcoreMesh(
        core_axis_name="c", subcore_axis_name="s",
        num_cores=_NC, num_subcores=_NS,
    ),
    scratch_types=[
        pltpu.VMEM((_E, _TPW), jnp.float32),
        pltpu.VMEM((_TPW,), jnp.float32),
        pltpu.VMEM((_TPW,), jnp.float32),
        pltpu.VMEM((_TPW,), jnp.int32),
        pltpu.VMEM((_TPW,), jnp.int32),
        pltpu.SemaphoreType.DMA,
    ],
)


def kernel(x, W, b):
    gt = _gate_logits_t(x, W, b)
    p1, p2, i1, i2 = _topk(gt)
    return jnp.stack([p1, p2], axis=1), jnp.stack([i1, i2], axis=1)

# --- scband reference (transcript-rebuilt; emitter-appended) ---
"""Pipeline reference for scband-top-kgate-46583215292721 (READ-ONLY COPY).

The authoritative reference and input builder live on the scoring server;
editing this copy changes nothing except your own understanding.
"""

import jax, jax.numpy as jnp
import numpy as np

INPUT_SIZE = 1024
NUM_EXPERTS = 8
K = 2
N_TOKENS = 32768

def setup_inputs(seed: int = 0) -> dict:
    key = jax.random.key(seed)
    kx, kw, kb = jax.random.split(key, 3)
    x = jax.random.normal(kx, (N_TOKENS, INPUT_SIZE), dtype=jnp.float32)
    # nn.Linear default init: U(-1/sqrt(fan_in), 1/sqrt(fan_in)); weight stored [out, in], we keep [in, out]
    bound = 1.0 / np.sqrt(INPUT_SIZE)
    W = jax.random.uniform(kw, (INPUT_SIZE, NUM_EXPERTS), dtype=jnp.float32, minval=-bound, maxval=bound)
    b = jax.random.uniform(kb, (NUM_EXPERTS,), dtype=jnp.float32, minval=-bound, maxval=bound)
    return {"x": x, "W": W, "b": b}

def reference(x, W, b):
    # gate_res = self.gate_layer(x)
    gate_res = jnp.dot(x, W) + b
    # topk_gate, topk_index = gate_res.topk(self.k, dim=1)
    topk_gate, topk_index = jax.lax.top_k(gate_res, K)
    # return (self.smooth_func(topk_gate), topk_index)  # softmax over dim=1
    probs = jax.nn.softmax(topk_gate, axis=1)
    return (probs, topk_index)

if __name__ == "__main__":
    import jax
    _d = setup_inputs()
    print(jax.jit(kernel)(*tuple(_d.values())))

</pallas_src>

<mosaic_0001>
#map = affine_map<(d0, d1) -> (0, 0)>
#map1 = affine_map<(d0, d1) -> (0)>
module attributes {stable_mosaic.version = 14 : i64} {
  func.func @_topk_body(%arg0: i32, %arg1: i32, %arg2: memref<8x32768xf32, #tpu.memory_space<hbm>>, %arg3: memref<32768xf32, #tpu.memory_space<hbm>>, %arg4: memref<32768xf32, #tpu.memory_space<hbm>>, %arg5: memref<32768xi32, #tpu.memory_space<hbm>>, %arg6: memref<32768xi32, #tpu.memory_space<hbm>>, %arg7: memref<8x1024xf32, #tpu.memory_space<vmem>>, %arg8: memref<1024xf32, #tpu.memory_space<vmem>>, %arg9: memref<1024xf32, #tpu.memory_space<vmem>>, %arg10: memref<1024xi32, #tpu.memory_space<vmem>>, %arg11: memref<1024xi32, #tpu.memory_space<vmem>>, %arg12: memref<!tpu.dma_semaphore, #tpu.memory_space<semaphore_mem>>) attributes {dimension_semantics = [#tpu.dimension_semantics<core_parallel>, #tpu.dimension_semantics<subcore_parallel>], iteration_bounds = array<i64: 2, 16>, scalar_prefetch = 0 : i64, scratch_operands = 6 : i64, tpu.core_type = #tpu.core_type<sc_vector_subcore>, window_params = [{transform_indices = #map}, {transform_indices = #map1}, {transform_indices = #map1}, {transform_indices = #map1}, {transform_indices = #map1}]} {
    %mul3A = arith.constant 2 : i32
    %mul3A_0 = arith.muli %arg1, %mul3A : i32
    %add3A = arith.addi %mul3A_0, %arg0 : i32
    %mul3A_1 = arith.constant 1024 : i32
    %mul3A_2 = arith.muli %add3A, %mul3A_1 : i32
    %dma_start3A = arith.constant 0 : i32
    %dma_start3A_3 = tpu.memref_slice %arg2[%dma_start3A, %mul3A_2] : memref<8x32768xf32, #tpu.memory_space<hbm>> -> memref<8x1024xf32, #tpu.memory_space<hbm>>
    %dma_start3A_4 = arith.constant 0 : i32
    %dma_start3A_5 = tpu.memref_slice %arg2[%dma_start3A_4, %mul3A_2] : memref<8x32768xf32, #tpu.memory_space<hbm>> -> memref<8x1024xf32, #tpu.memory_space<hbm>>
    tpu.enqueue_dma source(%dma_start3A_5 : memref<8x1024xf32, #tpu.memory_space<hbm>>) target(%arg7 : memref<8x1024xf32, #tpu.memory_space<vmem>>) target_semaphore(%arg12 : memref<!tpu.dma_semaphore, #tpu.memory_space<semaphore_mem>>)
    %dma_wait3A = arith.constant 0 : i32
    %dma_wait3A_6 = tpu.memref_slice %arg2[%dma_wait3A, %mul3A_2] : memref<8x32768xf32, #tpu.memory_space<hbm>> -> memref<8x1024xf32, #tpu.memory_space<hbm>>
    %dma_wait3A_7 = arith.constant 0 : i32
    %dma_wait3A_8 = tpu.memref_slice %arg2[%dma_wait3A_7, %mul3A_2] : memref<8x32768xf32, #tpu.memory_space<hbm>> -> memref<8x1024xf32, #tpu.memory_space<hbm>>
    tpu.wait_dma2 semaphore(%arg12 : memref<!tpu.dma_semaphore, #tpu.memory_space<semaphore_mem>>) src(%dma_wait3A_8 : memref<8x1024xf32, #tpu.memory_space<hbm>>) dst(%arg7 : memref<8x1024xf32, #tpu.memory_space<vmem>>)
    %scan3A = arith.constant 0 : i32
    %scan3A_9 = arith.constant 0 : i32
    %scan3A_10 = arith.constant 64 : i32
    %scan3A_11 = arith.addi %scan3A_9, %scan3A_10 : i32
    %scan3A_12 = arith.constant 4 : i32
    scf.for %scan3A_30 = %scan3A_9 to %scan3A_11 step %scan3A_12  : i32 {
      %mul3A_31 = arith.constant 16 : i32
      %mul3A_32 = arith.muli %scan3A_30, %mul3A_31 : i32
      %get3A = arith.constant 0 : i32
      %get3A_33 = arith.index_cast %get3A : i32 to index
      %get3A_34 = arith.index_cast %mul3A_32 : i32 to index
      %get3A_35 = tpu.vector_load %arg7[%get3A_33, %get3A_34] {strides = array<i32>} : memref<8x1024xf32, #tpu.memory_space<vmem>>, vector<1x16xf32>,
      %get3A_36 = vector.shape_cast %get3A_35 : vector<1x16xf32> to vector<16xf32>
      %broadcast_in_dim3A = arith.constant 0 : i32
      %broadcast_in_dim3A_37 = vector.broadcast %broadcast_in_dim3A : i32 to vector<16xi32>
      %broadcast_in_dim3A_38 = arith.constant 0xFF800000 : f32
      %broadcast_in_dim3A_39 = vector.broadcast %broadcast_in_dim3A_38 : f32 to vector<16xf32>
      %broadcast_in_dim3A_40 = arith.constant 1 : i32
      %broadcast_in_dim3A_41 = vector.broadcast %broadcast_in_dim3A_40 : i32 to vector<16xi32>
      %get3A_42 = arith.constant 1 : i32
      %get3A_43 = arith.index_cast %get3A_42 : i32 to index
      %get3A_44 = arith.index_cast %mul3A_32 : i32 to index
      %get3A_45 = tpu.vector_load %arg7[%get3A_43, %get3A_44] {strides = array<i32>} : memref<8x1024xf32, #tpu.memory_space<vmem>>, vector<1x16xf32>,
      %get3A_46 = vector.shape_cast %get3A_45 : vector<1x16xf32> to vector<16xf32>
      %gt3A = arith.cmpf ogt, %get3A_46, %get3A_36 : vector<16xf32>
      %gt3A_47 = arith.cmpf ogt, %get3A_46, %broadcast_in_dim3A_39 : vector<16xf32>
      %select_n3A = arith.select %gt3A_47, %get3A_46, %broadcast_in_dim3A_39 : vector<16xi1>, vector<16xf32>
      %select_n3A_48 = arith.select %gt3A, %get3A_36, %select_n3A : vector<16xi1>, vector<16xf32>
      %select_n3A_49 = arith.select %gt3A_47, %broadcast_in_dim3A_41, %broadcast_in_dim3A_37 : vector<16xi1>, vector<16xi32>
      %select_n3A_50 = arith.select %gt3A, %broadcast_in_dim3A_37, %select_n3A_49 : vector<16xi1>, vector<16xi32>
      %select_n3A_51 = arith.select %gt3A, %get3A_46, %get3A_36 : vector<16xi1>, vector<16xf32>
      %select_n3A_52 = arith.select %gt3A, %broadcast_in_dim3A_41, %broadcast_in_dim3A_37 : vector<16xi1>, vector<16xi32>
      %broadcast_in_dim3A_53 = arith.constant 2 : i32
      %broadcast_in_dim3A_54 = vector.broadcast %broadcast_in_dim3A_53 : i32 to vector<16xi32>
      %get3A_55 = arith.constant 2 : i32
      %get3A_56 = arith.index_cast %get3A_55 : i32 to index
      %get3A_57 = arith.index_cast %mul3A_32 : i32 to index
      %get3A_58 = tpu.vector_load %arg7[%get3A_56, %get3A_57] {strides = array<i32>} : memref<8x1024xf32, #tpu.memory_space<vmem>>, vector<1x16xf32>,
      %get3A_59 = vector.shape_cast %get3A_58 : vector<1x16xf32> to vector<16xf32>
      %gt3A_60 = arith.cmpf ogt, %get3A_59, %select_n3A_51 : vector<16xf32>
      %gt3A_61 = arith.cmpf ogt, %get3A_59, %select_n3A_48 : vector<16xf32>
      %select_n3A_62 = arith.select %gt3A_61, %get3A_59, %select_n3A_48 : vector<16xi1>, vector<16xf32>
      %select_n3A_63 = arith.select %gt3A_60, %select_n3A_51, %select_n3A_62 : vector<16xi1>, vector<16xf32>
      %select_n3A_64 = arith.select %gt3A_61, %broadcast_in_dim3A_54, %select_n3A_50 : vector<16xi1>, vector<16xi32>
      %select_n3A_65 = arith.select %gt3A_60, %select_n3A_52, %select_n3A_64 : vector<16xi1>, vector<16xi32>
      %select_n3A_66 = arith.select %gt3A_60, %get3A_59, %select_n3A_51 : vector<16xi1>, vector<16xf32>
      %select_n3A_67 = arith.select %gt3A_60, %broadcast_in_dim3A_54, %select_n3A_52 : vector<16xi1>, vector<16xi32>
      %broadcast_in_dim3A_68 = arith.constant 3 : i32
      %broadcast_in_dim3A_69 = vector.broadcast %broadcast_in_dim3A_68 : i32 to vector<16xi32>
      %get3A_70 = arith.constant 3 : i32
      %get3A_71 = arith.index_cast %get3A_70 : i32 to index
      %get3A_72 = arith.index_cast %mul3A_32 : i32 to index
      %get3A_73 = tpu.vector_load %arg7[%get3A_71, %get3A_72] {strides = array<i32>} : memref<8x1024xf32, #tpu.memory_space<vmem>>, vector<1x16xf32>,
      %get3A_74 = vector.shape_cast %get3A_73 : vector<1x16xf32> to vector<16xf32>
      %gt3A_75 = arith.cmpf ogt, %get3A_74, %select_n3A_66 : vector<16xf32>
      %gt3A_76 = arith.cmpf ogt, %get3A_74, %select_n3A_63 : vector<16xf32>
      %select_n3A_77 = arith.select %gt3A_76, %get3A_74, %select_n3A_63 : vector<16xi1>, vector<16xf32>
      %select_n3A_78 = arith.select %gt3A_75, %select_n3A_66, %select_n3A_77 : vector<16xi1>, vector<16xf32>
      %select_n3A_79 = arith.select %gt3A_76, %broadcast_in_dim3A_69, %select_n3A_65 : vector<16xi1>, vector<16xi32>
      %select_n3A_80 = arith.select %gt3A_75, %select_n3A_67, %select_n3A_79 : vector<16xi1>, vector<16xi32>
      %select_n3A_81 = arith.select %gt3A_75, %get3A_74, %select_n3A_66 : vector<16xi1>, vector<16xf32>
      %select_n3A_82 = arith.select %gt3A_75, %broadcast_in_dim3A_69, %select_n3A_67 : vector<16xi1>, vector<16xi32>
      %broadcast_in_dim3A_83 = arith.constant 4 : i32
      %broadcast_in_dim3A_84 = vector.broadcast %broadcast_in_dim3A_83 : i32 to vector<16xi32>
      %get3A_85 = arith.constant 4 : i32
      %get3A_86 = arith.index_cast %get3A_85 : i32 to index
      %get3A_87 = arith.index_cast %mul3A_32 : i32 to index
      %get3A_88 = tpu.vector_load %arg7[%get3A_86, %get3A_87] {strides = array<i32>} : memref<8x1024xf32, #tpu.memory_space<vmem>>, vector<1x16xf32>,
      %get3A_89 = vector.shape_cast %get3A_88 : vector<1x16xf32> to vector<16xf32>
      %gt3A_90 = arith.cmpf ogt, %get3A_89, %select_n3A_81 : vector<16xf32>
      %gt3A_91 = arith.cmpf ogt, %get3A_89, %select_n3A_78 : vector<16xf32>
      %select_n3A_92 = arith.select %gt3A_91, %get3A_89, %select_n3A_78 : vector<16xi1>, vector<16xf32>
      %select_n3A_93 = arith.select %gt3A_90, %select_n3A_81, %select_n3A_92 : vector<16xi1>, vector<16xf32>
      %select_n3A_94 = arith.select %gt3A_91, %broadcast_in_dim3A_84, %select_n3A_80 : vector<16xi1>, vector<16xi32>
      %select_n3A_95 = arith.select %gt3A_90, %select_n3A_82, %select_n3A_94 : vector<16xi1>, vector<16xi32>
      %select_n3A_96 = arith.select %gt3A_90, %get3A_89, %select_n3A_81 : vector<16xi1>, vector<16xf32>
      %select_n3A_97 = arith.select %gt3A_90, %broadcast_in_dim3A_84, %select_n3A_82 : vector<16xi1>, vector<16xi32>
      %broadcast_in_dim3A_98 = arith.constant 5 : i32
      %broadcast_in_dim3A_99 = vector.broadcast %broadcast_in_dim3A_98 : i32 to vector<16xi32>
      %get3A_100 = arith.constant 5 : i32
      %get3A_101 = arith.index_cast %get3A_100 : i32 to index
      %get3A_102 = arith.index_cast %mul3A_32 : i32 to index
      %get3A_103 = tpu.vector_load %arg7[%get3A_101, %get3A_102] {strides = array<i32>} : memref<8x1024xf32, #tpu.memory_space<vmem>>, vector<1x16xf32>,
      %get3A_104 = vector.shape_cast %get3A_103 : vector<1x16xf32> to vector<16xf32>
      %gt3A_105 = arith.cmpf ogt, %get3A_104, %select_n3A_96 : vector<16xf32>
      %gt3A_106 = arith.cmpf ogt, %get3A_104, %select_n3A_93 : vector<16xf32>
      %select_n3A_107 = arith.select %gt3A_106, %get3A_104, %select_n3A_93 : vector<16xi1>, vector<16xf32>
      %select_n3A_108 = arith.select %gt3A_105, %select_n3A_96, %select_n3A_107 : vector<16xi1>, vector<16xf32>
      %select_n3A_109 = arith.select %gt3A_106, %broadcast_in_dim3A_99, %select_n3A_95 : vector<16xi1>, vector<16xi32>
      %select_n3A_110 = arith.select %gt3A_105, %select_n3A_97, %select_n3A_109 : vector<16xi1>, vector<16xi32>
      %select_n3A_111 = arith.select %gt3A_105, %get3A_104, %select_n3A_96 : vector<16xi1>, vector<16xf32>
      %select_n3A_112 = arith.select %gt3A_105, %broadcast_in_dim3A_99, %select_n3A_97 : vector<16xi1>, vector<16xi32>
      %broadcast_in_dim3A_113 = arith.constant 6 : i32
      %broadcast_in_dim3A_114 = vector.broadcast %broadcast_in_dim3A_113 : i32 to vector<16xi32>
      %get3A_115 = arith.constant 6 : i32
      %get3A_116 = arith.index_cast %get3A_115 : i32 to index
      %get3A_117 = arith.index_cast %mul3A_32 : i32 to index
      %get3A_118 = tpu.vector_load %arg7[%get3A_116, %get3A_117] {strides = array<i32>} : memref<8x1024xf32, #tpu.memory_space<vmem>>, vector<1x16xf32>,
      %get3A_119 = vector.shape_cast %get3A_118 : vector<1x16xf32> to vector<16xf32>
      %gt3A_120 = arith.cmpf ogt, %get3A_119, %select_n3A_111 : vector<16xf32>
      %gt3A_121 = arith.cmpf ogt, %get3A_119, %select_n3A_108 : vector<16xf32>
      %select_n3A_122 = arith.select %gt3A_121, %get3A_119, %select_n3A_108 : vector<16xi1>, vector<16xf32>
      %select_n3A_123 = arith.select %gt3A_120, %select_n3A_111, %select_n3A_122 : vector<16xi1>, vector<16xf32>
      %select_n3A_124 = arith.select %gt3A_121, %broadcast_in_dim3A_114, %select_n3A_110 : vector<16xi1>, vector<16xi32>
      %select_n3A_125 = arith.select %gt3A_120, %select_n3A_112, %select_n3A_124 : vector<16xi1>, vector<16xi32>
      %select_n3A_126 = arith.select %gt3A_120, %get3A_119, %select_n3A_111 : vector<16xi1>, vector<16xf32>
      %select_n3A_127 = arith.select %gt3A_120, %broadcast_in_dim3A_114, %select_n3A_112 : vector<16xi1>, vector<16xi32>
      %broadcast_in_dim3A_128 = arith.constant 7 : i32
      %broadcast_in_dim3A_129 = vector.broadcast %broadcast_in_dim3A_128 : i32 to vector<16xi32>
      %get3A_130 = arith.constant 7 : i32
      %get3A_131 = arith.index_cast %get3A_130 : i32 to index
      %get3A_132 = arith.index_cast %mul3A_32 : i32 to index
      %get3A_133 = tpu.vector_load %arg7[%get3A_131, %get3A_132] {strides = array<i32>} : memref<8x1024xf32, #tpu.memory_space<vmem>>, vector<1x16xf32>,
      %get3A_134 = vector.shape_cast %get3A_133 : vector<1x16xf32> to vector<16xf32>
      %gt3A_135 = arith.cmpf ogt, %get3A_134, %select_n3A_126 : vector<16xf32>
      %gt3A_136 = arith.cmpf ogt, %get3A_134, %select_n3A_123 : vector<16xf32>
      %select_n3A_137 = arith.select %gt3A_136, %get3A_134, %select_n3A_123 : vector<16xi1>, vector<16xf32>
      %select_n3A_138 = arith.select %gt3A_135, %select_n3A_126, %select_n3A_137 : vector<16xi1>, vector<16xf32>
      %select_n3A_139 = arith.select %gt3A_136, %broadcast_in_dim3A_129, %select_n3A_125 : vector<16xi1>, vector<16xi32>
      %select_n3A_140 = arith.select %gt3A_135, %select_n3A_127, %select_n3A_139 : vector<16xi1>, vector<16xi32>
      %select_n3A_141 = arith.select %gt3A_135, %get3A_134, %select_n3A_126 : vector<16xi1>, vector<16xf32>
      %select_n3A_142 = arith.select %gt3A_135, %broadcast_in_dim3A_129, %select_n3A_127 : vector<16xi1>, vector<16xi32>
      %sub3A = arith.subf %select_n3A_138, %select_n3A_141 : vector<16xf32>
      %exp3A = math.exp %sub3A : vector<16xf32>
      %add3A_143 = arith.constant 1.000000e+00 : f32
      %add3A_144 = vector.broadcast %add3A_143 : f32 to vector<16xf32>
      %add3A_145 = arith.addf %add3A_144, %exp3A : vector<16xf32>
      %div3A = arith.constant 1.000000e+00 : f32
      %div3A_146 = vector.broadcast %div3A : f32 to vector<16xf32>
      %div3A_147 = arith.divf %div3A_146, %add3A_145 : vector<16xf32>
      %swap3A = arith.index_cast %mul3A_32 : i32 to index
      %swap3A_148 = tpu.vector_load %arg8[%swap3A] {strides = array<i32>} : memref<1024xf32, #tpu.memory_space<vmem>>, vector<16xf32>,
      %swap3A_149 = vector.shape_cast %swap3A_148 : vector<16xf32> to vector<16xf32>
      %swap3A_150 = vector.shape_cast %div3A_147 : vector<16xf32> to vector<16xf32>
      tpu.vector_store %arg8[%swap3A], %swap3A_150 {strides = array<i32>} : memref<1024xf32, #tpu.memory_space<vmem>>, vector<16xf32>,
      %sub3A_151 = arith.constant 1.000000e+00 : f32
      %sub3A_152 = vector.broadcast %sub3A_151 : f32 to vector<16xf32>
      %sub3A_153 = arith.subf %sub3A_152, %div3A_147 : vector<16xf32>
      %swap3A_154 = arith.index_cast %mul3A_32 : i32 to index
      %swap3A_155 = tpu.vector_load %arg9[%swap3A_154] {strides = array<i32>} : memref<1024xf32, #tpu.memory_space<vmem>>, vector<16xf32>,
      %swap3A_156 = vector.shape_cast %swap3A_155 : vector<16xf32> to vector<16xf32>
      %swap3A_157 = vector.shape_cast %sub3A_153 : vector<16xf32> to vector<16xf32>
      tpu.vector_store %arg9[%swap3A_154], %swap3A_157 {strides = array<i32>} : memref<1024xf32, #tpu.memory_space<vmem>>, vector<16xf32>,
      %swap3A_158 = arith.index_cast %mul3A_32 : i32 to index
      %swap3A_159 = tpu.vector_load %arg10[%swap3A_158] {strides = array<i32>} : memref<1024xi32, #tpu.memory_space<vmem>>, vector<16xi32>,
      %swap3A_160 = vector.shape_cast %swap3A_159 : vector<16xi32> to vector<16xi32>
      %swap3A_161 = vector.shape_cast %select_n3A_142 : vector<16xi32> to vector<16xi32>
      tpu.vector_store %arg10[%swap3A_158], %swap3A_161 {strides = array<i32>} : memref<1024xi32, #tpu.memory_space<vmem>>, vector<16xi32>,
      %swap3A_162 = arith.index_cast %mul3A_32 : i32 to index
      %swap3A_163 = tpu.vector_load %arg11[%swap3A_162] {strides = array<i32>} : memref<1024xi32, #tpu.memory_space<vmem>>, vector<16xi32>,
      %swap3A_164 = vector.shape_cast %swap3A_163 : vector<16xi32> to vector<16xi32>
      %swap3A_165 = vector.shape_cast %select_n3A_140 : vector<16xi32> to vector<16xi32>
      tpu.vector_store %arg11[%swap3A_162], %swap3A_165 {strides = array<i32>} : memref<1024xi32, #tpu.memory_space<vmem>>, vector<16xi32>,
      %scan3A_166 = arith.constant 1 : i32
      %scan3A_167 = arith.addi %scan3A_30, %scan3A_166 : i32
      %mul3A_168 = arith.constant 16 : i32
      %mul3A_169 = arith.muli %scan3A_167, %mul3A_168 : i32
      %get3A_170 = arith.constant 0 : i32
      %get3A_171 = arith.index_cast %get3A_170 : i32 to index
      %get3A_172 = arith.index_cast %mul3A_169 : i32 to index
      %get3A_173 = tpu.vector_load %arg7[%get3A_171, %get3A_172] {strides = array<i32>} : memref<8x1024xf32, #tpu.memory_space<vmem>>, vector<1x16xf32>,
      %get3A_174 = vector.shape_cast %get3A_173 : vector<1x16xf32> to vector<16xf32>
      %broadcast_in_dim3A_175 = arith.constant 0 : i32
      %broadcast_in_dim3A_176 = vector.broadcast %broadcast_in_dim3A_175 : i32 to vector<16xi32>
      %broadcast_in_dim3A_177 = arith.constant 0xFF800000 : f32
      %broadcast_in_dim3A_178 = vector.broadcast %broadcast_in_dim3A_177 : f32 to vector<16xf32>
      %broadcast_in_dim3A_179 = arith.constant 1 : i32
      %broadcast_in_dim3A_180 = vector.broadcast %broadcast_in_dim3A_179 : i32 to vector<16xi32>
      %get3A_181 = arith.constant 1 : i32
      %get3A_182 = arith.index_cast %get3A_181 : i32 to index
      %get3A_183 = arith.index_cast %mul3A_169 : i32 to index
      %get3A_184 = tpu.vector_load %arg7[%get3A_182, %get3A_183] {strides = array<i32>} : memref<8x1024xf32, #tpu.memory_space<vmem>>, vector<1x16xf32>,
      %get3A_185 = vector.shape_cast %get3A_184 : vector<1x16xf32> to vector<16xf32>
      %gt3A_186 = arith.cmpf ogt, %get3A_185, %get3A_174 : vector<16xf32>
      %gt3A_187 = arith.cmpf ogt, %get3A_185, %broadcast_in_dim3A_178 : vector<16xf32>
      %select_n3A_188 = arith.select %gt3A_187, %get3A_185, %broadcast_in_dim3A_178 : vector<16xi1>, vector<16xf32>
      %select_n3A_189 = arith.select %gt3A_186, %get3A_174, %select_n3A_188 : vector<16xi1>, vector<16xf32>
      %select_n3A_190 = arith.select %gt3A_187, %broadcast_in_dim3A_180, %broadcast_in_dim3A_176 : vector<16xi1>, vector<16xi32>
      %select_n3A_191 = arith.select %gt3A_186, %broadcast_in_dim3A_176, %select_n3A_190 : vector<16xi1>, vector<16xi32>
      %select_n3A_192 = arith.select %gt3A_186, %get3A_185, %get3A_174 : vector<16xi1>, vector<16xf32>
      %select_n3A_193 = arith.select %gt3A_186, %broadcast_in_dim3A_180, %broadcast_in_dim3A_176 : vector<16xi1>, vector<16xi32>
      %broadcast_in_dim3A_194 = arith.constant 2 : i32
      %broadcast_in_dim3A_195 = vector.broadcast %broadcast_in_dim3A_194 : i32 to vector<16xi32>
      %get3A_196 = arith.constant 2 : i32
      %get3A_197 = arith.index_cast %get3A_196 : i32 to index
      %get3A_198 = arith.index_cast %mul3A_169 : i32 to index
      %get3A_199 = tpu.vector_load %arg7[%get3A_197, %get3A_198] {strides = array<i32>} : memref<8x1024xf32, #tpu.memory_space<vmem>>, vector<1x16xf32>,
      %get3A_200 = vector.shape_cast %get3A_199 : vector<1x16xf32> to vector<16xf32>
      %gt3A_201 = arith.cmpf ogt, %get3A_200, %select_n3A_192 : vector<16xf32>
      %gt3A_202 = arith.cmpf ogt, %get3A_200, %select_n3A_189 : vector<16xf32>
      %select_n3A_203 = arith.select %gt3A_202, %get3A_200, %select_n3A_189 : vector<16xi1>, vector<16xf32>
      %select_n3A_204 = arith.select %gt3A_201, %select_n3A_192, %select_n3A_203 : vector<16xi1>, vector<16xf32>
      %select_n3A_205 = arith.select %gt3A_202, %broadcast_in_dim3A_195, %select_n3A_191 : vector<16xi1>, vector<16xi32>
      %select_n3A_206 = arith.select %gt3A_201, %select_n3A_193, %select_n3A_205 : vector<16xi1>, vector<16xi32>
      %select_n3A_207 = arith.select %gt3A_201, %get3A_200, %select_n3A_192 : vector<16xi1>, vector<16xf32>
      %select_n3A_208 = arith.select %gt3A_201, %broadcast_in_dim3A_195, %select_n3A_193 : vector<16xi1>, vector<16xi32>
      %broadcast_in_dim3A_209 = arith.constant 3 : i32
      %broadcast_in_dim3A_210 = vector.broadcast %broadcast_in_dim3A_209 : i32 to vector<16xi32>
      %get3A_211 = arith.constant 3 : i32
      %get3A_212 = arith.index_cast %get3A_211 : i32 to index
      %get3A_213 = arith.index_cast %mul3A_169 : i32 to index
      %get3A_214 = tpu.vector_load %arg7[%get3A_212, %get3A_213] {strides = array<i32>} : memref<8x1024xf32, #tpu.memory_space<vmem>>, vector<1x16xf32>,
      %get3A_215 = vector.shape_cast %get3A_214 : vector<1x16xf32> to vector<16xf32>
      %gt3A_216 = arith.cmpf ogt, %get3A_215, %select_n3A_207 : vector<16xf32>
      %gt3A_217 = arith.cmpf ogt, %get3A_215, %select_n3A_204 : vector<16xf32>
      %select_n3A_218 = arith.select %gt3A_217, %get3A_215, %select_n3A_204 : vector<16xi1>, vector<16xf32>
      %select_n3A_219 = arith.select %gt3A_216, %select_n3A_207, %select_n3A_218 : vector<16xi1>, vector<16xf32>
      %select_n3A_220 = arith.select %gt3A_217, %broadcast_in_dim3A_210, %select_n3A_206 : vector<16xi1>, vector<16xi32>
      %select_n3A_221 = arith.select %gt3A_216, %select_n3A_208, %select_n3A_220 : vector<16xi1>, vector<16xi32>
      %select_n3A_222 = arith.select %gt3A_216, %get3A_215, %select_n3A_207 : vector<16xi1>, vector<16xf32>
      %select_n3A_223 = arith.select %gt3A_216, %broadcast_in_dim3A_210, %select_n3A_208 : vector<16xi1>, vector<16xi32>
      %broadcast_in_dim3A_224 = arith.constant 4 : i32
      %broadcast_in_dim3A_225 = vector.broadcast %broadcast_in_dim3A_224 : i32 to vector<16xi32>
      %get3A_226 = arith.constant 4 : i32
      %get3A_227 = arith.index_cast %get3A_226 : i32 to index
      %get3A_228 = arith.index_cast %mul3A_169 : i32 to index
      %get3A_229 = tpu.vector_load %arg7[%get3A_227, %get3A_228] {strides = array<i32>} : memref<8x1024xf32, #tpu.memory_space<vmem>>, vector<1x16xf32>,
      %get3A_230 = vector.shape_cast %get3A_229 : vector<1x16xf32> to vector<16xf32>
      %gt3A_231 = arith.cmpf ogt, %get3A_230, %select_n3A_222 : vector<16xf32>
      %gt3A_232 = arith.cmpf ogt, %get3A_230, %select_n3A_219 : vector<16xf32>
      %select_n3A_233 = arith.select %gt3A_232, %get3A_230, %select_n3A_219 : vector<16xi1>, vector<16xf32>
      %select_n3A_234 = arith.select %gt3A_231, %select_n3A_222, %select_n3A_233 : vector<16xi1>, vector<16xf32>
      %select_n3A_235 = arith.select %gt3A_232, %broadcast_in_dim3A_225, %select_n3A_221 : vector<16xi1>, vector<16xi32>
      %select_n3A_236 = arith.select %gt3A_231, %select_n3A_223, %select_n3A_235 : vector<16xi1>, vector<16xi32>
      %select_n3A_237 = arith.select %gt3A_231, %get3A_230, %select_n3A_222 : vector<16xi1>, vector<16xf32>
      %select_n3A_238 = arith.select %gt3A_231, %broadcast_in_dim3A_225, %select_n3A_223 : vector<16xi1>, vector<16xi32>
      %broadcast_in_dim3A_239 = arith.constant 5 : i32
      %broadcast_in_dim3A_240 = vector.broadcast %broadcast_in_dim3A_239 : i32 to vector<16xi32>
      %get3A_241 = arith.constant 5 : i32
      %get3A_242 = arith.index_cast %get3A_241 : i32 to index
      %get3A_243 = arith.index_cast %mul3A_169 : i32 to index
      %get3A_244 = tpu.vector_load %arg7[%get3A_242, %get3A_243] {strides = array<i32>} : memref<8x1024xf32, #tpu.memory_space<vmem>>, vector<1x16xf32>,
      %get3A_245 = vector.shape_cast %get3A_244 : vector<1x16xf32> to vector<16xf32>
      %gt3A_246 = arith.cmpf ogt, %get3A_245, %select_n3A_237 : vector<16xf32>
      %gt3A_247 = arith.cmpf ogt, %get3A_245, %select_n3A_234 : vector<16xf32>
      %select_n3A_248 = arith.select %gt3A_247, %get3A_245, %select_n3A_234 : vector<16xi1>, vector<16xf32>
      %select_n3A_249 = arith.select %gt3A_246, %select_n3A_237, %select_n3A_248 : vector<16xi1>, vector<16xf32>
      %select_n3A_250 = arith.select %gt3A_247, %broadcast_in_dim3A_240, %select_n3A_236 : vector<16xi1>, vector<16xi32>
      %select_n3A_251 = arith.select %gt3A_246, %select_n3A_238, %select_n3A_250 : vector<16xi1>, vector<16xi32>
      %select_n3A_252 = arith.select %gt3A_246, %get3A_245, %select_n3A_237 : vector<16xi1>, vector<16xf32>
      %select_n3A_253 = arith.select %gt3A_246, %broadcast_in_dim3A_240, %select_n3A_238 : vector<16xi1>, vector<16xi32>
      %broadcast_in_dim3A_254 = arith.constant 6 : i32
      %broadcast_in_dim3A_255 = vector.broadcast %broadcast_in_dim3A_254 : i32 to vector<16xi32>
      %get3A_256 = arith.constant 6 : i32
      %get3A_257 = arith.index_cast %get3A_256 : i32 to index
      %get3A_258 = arith.index_cast %mul3A_169 : i32 to index
      %get3A_259 = tpu.vector_load %arg7[%get3A_257, %get3A_258] {strides = array<i32>} : memref<8x1024xf32, #tpu.memory_space<vmem>>, vector<1x16xf32>,
      %get3A_260 = vector.shape_cast %get3A_259 : vector<1x16xf32> to vector<16xf32>
      %gt3A_261 = arith.cmpf ogt, %get3A_260, %select_n3A_252 : vector<16xf32>
      %gt3A_262 = arith.cmpf ogt, %get3A_260, %select_n3A_249 : vector<16xf32>
      %select_n3A_263 = arith.select %gt3A_262, %get3A_260, %select_n3A_249 : vector<16xi1>, vector<16xf32>
      %select_n3A_264 = arith.select %gt3A_261, %select_n3A_252, %select_n3A_263 : vector<16xi1>, vector<16xf32>
      %select_n3A_265 = arith.select %gt3A_262, %broadcast_in_dim3A_255, %select_n3A_251 : vector<16xi1>, vector<16xi32>
      %select_n3A_266 = arith.select %gt3A_261, %select_n3A_253, %select_n3A_265 : vector<16xi1>, vector<16xi32>
      %select_n3A_267 = arith.select %gt3A_261, %get3A_260, %select_n3A_252 : vector<16xi1>, vector<16xf32>
      %select_n3A_268 = arith.select %gt3A_261, %broadcast_in_dim3A_255, %select_n3A_253 : vector<16xi1>, vector<16xi32>
      %broadcast_in_dim3A_269 = arith.constant 7 : i32
      %broadcast_in_dim3A_270 = vector.broadcast %broadcast_in_dim3A_269 : i32 to vector<16xi32>
      %get3A_271 = arith.constant 7 : i32
      %get3A_272 = arith.index_cast %get3A_271 : i32 to index
      %get3A_273 = arith.index_cast %mul3A_169 : i32 to index
      %get3A_274 = tpu.vector_load %arg7[%get3A_272, %get3A_273] {strides = array<i32>} : memref<8x1024xf32, #tpu.memory_space<vmem>>, vector<1x16xf32>,
      %get3A_275 = vector.shape_cast %get3A_274 : vector<1x16xf32> to vector<16xf32>
      %gt3A_276 = arith.cmpf ogt, %get3A_275, %select_n3A_267 : vector<16xf32>
      %gt3A_277 = arith.cmpf ogt, %get3A_275, %select_n3A_264 : vector<16xf32>
      %select_n3A_278 = arith.select %gt3A_277, %get3A_275, %select_n3A_264 : vector<16xi1>, vector<16xf32>
      %select_n3A_279 = arith.select %gt3A_276, %select_n3A_267, %select_n3A_278 : vector<16xi1>, vector<16xf32>
      %select_n3A_280 = arith.select %gt3A_277, %broadcast_in_dim3A_270, %select_n3A_266 : vector<16xi1>, vector<16xi32>
      %select_n3A_281 = arith.select %gt3A_276, %select_n3A_268, %select_n3A_280 : vector<16xi1>, vector<16xi32>
      %select_n3A_282 = arith.select %gt3A_276, %get3A_275, %select_n3A_267 : vector<16xi1>, vector<16xf32>
      %select_n3A_283 = arith.select %gt3A_276, %broadcast_in_dim3A_270, %select_n3A_268 : vector<16xi1>, vector<16xi32>
      %sub3A_284 = arith.subf %select_n3A_279, %select_n3A_282 : vector<16xf32>
      %exp3A_285 = math.exp %sub3A_284 : vector<16xf32>
      %add3A_286 = arith.constant 1.000000e+00 : f32
      %add3A_287 = vector.broadcast %add3A_286 : f32 to vector<16xf32>
      %add3A_288 = arith.addf %add3A_287, %exp3A_285 : vector<16xf32>
      %div3A_289 = arith.constant 1.000000e+00 : f32
      %div3A_290 = vector.broadcast %div3A_289 : f32 to vector<16xf32>
      %div3A_291 = arith.divf %div3A_290, %add3A_288 : vector<16xf32>
      %swap3A_292 = arith.index_cast %mul3A_169 : i32 to index
      %swap3A_293 = tpu.vector_load %arg8[%swap3A_292] {strides = array<i32>} : memref<1024xf32, #tpu.memory_space<vmem>>, vector<16xf32>,
      %swap3A_294 = vector.shape_cast %swap3A_293 : vector<16xf32> to vector<16xf32>
      %swap3A_295 = vector.shape_cast %div3A_291 : vector<16xf32> to vector<16xf32>
      tpu.vector_store %arg8[%swap3A_292], %swap3A_295 {strides = array<i32>} : memref<1024xf32, #tpu.memory_space<vmem>>, vector<16xf32>,
      %sub3A_296 = arith.constant 1.000000e+00 : f32
      %sub3A_297 = vector.broadcast %sub3A_296 : f32 to vector<16xf32>
      %sub3A_298 = arith.subf %sub3A_297, %div3A_291 : vector<16xf32>
      %swap3A_299 = arith.index_cast %mul3A_169 : i32 to index
      %swap3A_300 = tpu.vector_load %arg9[%swap3A_299] {strides = array<i32>} : memref<1024xf32, #tpu.memory_space<vmem>>, vector<16xf32>,
      %swap3A_301 = vector.shape_cast %swap3A_300 : vector<16xf32> to vector<16xf32>
      %swap3A_302 = vector.shape_cast %sub3A_298 : vector<16xf32> to vector<16xf32>
      tpu.vector_store %arg9[%swap3A_299], %swap3A_302 {strides = array<i32>} : memref<1024xf32, #tpu.memory_space<vmem>>, vector<16xf32>,
      %swap3A_303 = arith.index_cast %mul3A_169 : i32 to index
      %swap3A_304 = tpu.vector_load %arg10[%swap3A_303] {strides = array<i32>} : memref<1024xi32, #tpu.memory_space<vmem>>, vector<16xi32>,
      %swap3A_305 = vector.shape_cast %swap3A_304 : vector<16xi32> to vector<16xi32>
      %swap3A_306 = vector.shape_cast %select_n3A_283 : vector<16xi32> to vector<16xi32>
      tpu.vector_store %arg10[%swap3A_303], %swap3A_306 {strides = array<i32>} : memref<1024xi32, #tpu.memory_space<vmem>>, vector<16xi32>,
      %swap3A_307 = arith.index_cast %mul3A_169 : i32 to index
      %swap3A_308 = tpu.vector_load %arg11[%swap3A_307] {strides = array<i32>} : memref<1024xi32, #tpu.memory_space<vmem>>, vector<16xi32>,
      %swap3A_309 = vector.shape_cast %swap3A_308 : vector<16xi32> to vector<16xi32>
      %swap3A_310 = vector.shape_cast %select_n3A_281 : vector<16xi32> to vector<16xi32>
      tpu.vector_store %arg11[%swap3A_307], %swap3A_310 {strides = array<i32>} : memref<1024xi32, #tpu.memory_space<vmem>>, vector<16xi32>,
      %scan3A_311 = arith.constant 2 : i32
      %scan3A_312 = arith.addi %scan3A_30, %scan3A_311 : i32
      %mul3A_313 = arith.constant 16 : i32
      %mul3A_314 = arith.muli %scan3A_312, %mul3A_313 : i32
      %get3A_315 = arith.constant 0 : i32
      %get3A_316 = arith.index_cast %get3A_315 : i32 to index
      %get3A_317 = arith.index_cast %mul3A_314 : i32 to index
      %get3A_318 = tpu.vector_load %arg7[%get3A_316, %get3A_317] {strides = array<i32>} : memref<8x1024xf32, #tpu.memory_space<vmem>>, vector<1x16xf32>,
      %get3A_319 = vector.shape_cast %get3A_318 : vector<1x16xf32> to vector<16xf32>
      %broadcast_in_dim3A_320 = arith.constant 0 : i32
      %broadcast_in_dim3A_321 = vector.broadcast %broadcast_in_dim3A_320 : i32 to vector<16xi32>
      %broadcast_in_dim3A_322 = arith.constant 0xFF800000 : f32
      %broadcast_in_dim3A_323 = vector.broadcast %broadcast_in_dim3A_322 : f32 to vector<16xf32>
      %broadcast_in_dim3A_324 = arith.constant 1 : i32
      %broadcast_in_dim3A_325 = vector.broadcast %broadcast_in_dim3A_324 : i32 to vector<16xi32>
      %get3A_326 = arith.constant 1 : i32
      %get3A_327 = arith.index_cast %get3A_326 : i32 to index
      %get3A_328 = arith.index_cast %mul3A_314 : i32 to index
      %get3A_329 = tpu.vector_load %arg7[%get3A_327, %get3A_328] {strides = array<i32>} : memref<8x1024xf32, #tpu.memory_space<vmem>>, vector<1x16xf32>,
      %get3A_330 = vector.shape_cast %get3A_329 : vector<1x16xf32> to vector<16xf32>
      %gt3A_331 = arith.cmpf ogt, %get3A_330, %get3A_319 : vector<16xf32>
      %gt3A_332 = arith.cmpf ogt, %get3A_330, %broadcast_in_dim3A_323 : vector<16xf32>
      %select_n3A_333 = arith.select %gt3A_332, %get3A_330, %broadcast_in_dim3A_323 : vector<16xi1>, vector<16xf32>
      %select_n3A_334 = arith.select %gt3A_331, %get3A_319, %select_n3A_333 : vector<16xi1>, vector<16xf32>
      %select_n3A_335 = arith.select %gt3A_332, %broadcast_in_dim3A_325, %broadcast_in_dim3A_321 : vector<16xi1>, vector<16xi32>
      %select_n3A_336 = arith.select %gt3A_331, %broadcast_in_dim3A_321, %select_n3A_335 : vector<16xi1>, vector<16xi32>
      %select_n3A_337 = arith.select %gt3A_331, %get3A_330, %get3A_319 : vector<16xi1>, vector<16xf32>
      %select_n3A_338 = arith.select %gt3A_331, %broadcast_in_dim3A_325, %broadcast_in_dim3A_321 : vector<16xi1>, vector<16xi32>
      %broadcast_in_dim3A_339 = arith.constant 2 : i32
      %broadcast_in_dim3A_340 = vector.broadcast %broadcast_in_dim3A_339 : i32 to vector<16xi32>
      %get3A_341 = arith.constant 2 : i32
      %get3A_342 = arith.index_cast %get3A_341 : i32 to index
      %get3A_343 = arith.index_cast %mul3A_314 : i32 to index
      %get3A_344 = tpu.vector_load %arg7[%get3A_342, %get3A_343] {strides = array<i32>} : memref<8x1024xf32, #tpu.memory_space<vmem>>, vector<1x16xf32>,
      %get3A_345 = vector.shape_cast %get3A_344 : vector<1x16xf32> to vector<16xf32>
      %gt3A_346 = arith.cmpf ogt, %get3A_345, %select_n3A_337 : vector<16xf32>
      %gt3A_347 = arith.cmpf ogt, %get3A_345, %select_n3A_334 : vector<16xf32>
      %select_n3A_348 = arith.select %gt3A_347, %get3A_345, %select_n3A_334 : vector<16xi1>, vector<16xf32>
      %select_n3A_349 = arith.select %gt3A_346, %select_n3A_337, %select_n3A_348 : vector<16xi1>, vector<16xf32>
      %select_n3A_350 = arith.select %gt3A_347, %broadcast_in_dim3A_340, %select_n3A_336 : vector<16xi1>, vector<16xi32>
      %select_n3A_351 = arith.select %gt3A_346, %select_n3A_338, %select_n3A_350 : vector<16xi1>, vector<16xi32>
      %select_n3A_352 = arith.select %gt3A_346, %get3A_345, %select_n3A_337 : vector<16xi1>, vector<16xf32>
      %select_n3A_353 = arith.select %gt3A_346, %broadcast_in_dim3A_340, %select_n3A_338 : vector<16xi1>, vector<16xi32>
      %broadcast_in_dim3A_354 = arith.constant 3 : i32
      %broadcast_in_dim3A_355 = vector.broadcast %broadcast_in_dim3A_354 : i32 to vector<16xi32>
      %get3A_356 = arith.constant 3 : i32
      %get3A_357 = arith.index_cast %get3A_356 : i32 to index
      %get3A_358 = arith.index_cast %mul3A_314 : i32 to index
      %get3A_359 = tpu.vector_load %arg7[%get3A_357, %get3A_358] {strides = array<i32>} : memref<8x1024xf32, #tpu.memory_space<vmem>>, vector<1x16xf32>,
      %get3A_360 = vector.shape_cast %get3A_359 : vector<1x16xf32> to vector<16xf32>
      %gt3A_361 = arith.cmpf ogt, %get3A_360, %select_n3A_352 : vector<16xf32>
      %gt3A_362 = arith.cmpf ogt, %get3A_360, %select_n3A_349 : vector<16xf32>
      %select_n3A_363 = arith.select %gt3A_362, %get3A_360, %select_n3A_349 : vector<16xi1>, vector<16xf32>
      %select_n3A_364 = arith.select %gt3A_361, %select_n3A_352, %select_n3A_363 : vector<16xi1>, vector<16xf32>
      %select_n3A_365 = arith.select %gt3A_362, %broadcast_in_dim3A_355, %select_n3A_351 : vector<16xi1>, vector<16xi32>
      %select_n3A_366 = arith.select %gt3A_361, %select_n3A_353, %select_n3A_365 : vector<16xi1>, vector<16xi32>
      %select_n3A_367 = arith.select %gt3A_361, %get3A_360, %select_n3A_352 : vector<16xi1>, vector<16xf32>
      %select_n3A_368 = arith.select %gt3A_361, %broadcast_in_dim3A_355, %select_n3A_353 : vector<16xi1>, vector<16xi32>
      %broadcast_in_dim3A_369 = arith.constant 4 : i32
      %broadcast_in_dim3A_370 = vector.broadcast %broadcast_in_dim3A_369 : i32 to vector<16xi32>
      %get3A_371 = arith.constant 4 : i32
      %get3A_372 = arith.index_cast %get3A_371 : i32 to index
      %get3A_373 = arith.index_cast %mul3A_314 : i32 to index
      %get3A_374 = tpu.vector_load %arg7[%get3A_372, %get3A_373] {strides = array<i32>} : memref<8x1024xf32, #tpu.memory_space<vmem>>, vector<1x16xf32>,
      %get3A_375 = vector.shape_cast %get3A_374 : vector<1x16xf32> to vector<16xf32>
      %gt3A_376 = arith.cmpf ogt, %get3A_375, %select_n3A_367 : vector<16xf32>
      %gt3A_377 = arith.cmpf ogt, %get3A_375, %select_n3A_364 : vector<16xf32>
      %select_n3A_378 = arith.select %gt3A_377, %get3A_375, %select_n3A_364 : vector<16xi1>, vector<16xf32>
      %select_n3A_379 = arith.select %gt3A_376, %select_n3A_367, %select_n3A_378 : vector<16xi1>, vector<16xf32>
      %select_n3A_380 = arith.select %gt3A_377, %broadcast_in_dim3A_370, %select_n3A_366 : vector<16xi1>, vector<16xi32>
      %select_n3A_381 = arith.select %gt3A_376, %select_n3A_368, %select_n3A_380 : vector<16xi1>, vector<16xi32>
      %select_n3A_382 = arith.select %gt3A_376, %get3A_375, %select_n3A_367 : vector<16xi1>, vector<16xf32>
      %select_n3A_383 = arith.select %gt3A_376, %broadcast_in_dim3A_370, %select_n3A_368 : vector<16xi1>, vector<16xi32>
      %broadcast_in_dim3A_384 = arith.constant 5 : i32
      %broadcast_in_dim3A_385 = vector.broadcast %broadcast_in_dim3A_384 : i32 to vector<16xi32>
      %get3A_386 = arith.constant 5 : i32
      %get3A_387 = arith.index_cast %get3A_386 : i32 to index
      %get3A_388 = arith.index_cast %mul3A_314 : i32 to index
      %get3A_389 = tpu.vector_load %arg7[%get3A_387, %get3A_388] {strides = array<i32>} : memref<8x1024xf32, #tpu.memory_space<vmem>>, vector<1x16xf32>,
      %get3A_390 = vector.shape_cast %get3A_389 : vector<1x16xf32> to vector<16xf32>
      %gt3A_391 = arith.cmpf ogt, %get3A_390, %select_n3A_382 : vector<16xf32>
      %gt3A_392 = arith.cmpf ogt, %get3A_390, %select_n3A_379 : vector<16xf32>
      %select_n3A_393 = arith.select %gt3A_392, %get3A_390, %select_n3A_379 : vector<16xi1>, vector<16xf32>
      %select_n3A_394 = arith.select %gt3A_391, %select_n3A_382, %select_n3A_393 : vector<16xi1>, vector<16xf32>
      %select_n3A_395 = arith.select %gt3A_392, %broadcast_in_dim3A_385, %select_n3A_381 : vector<16xi1>, vector<16xi32>
      %select_n3A_396 = arith.select %gt3A_391, %select_n3A_383, %select_n3A_395 : vector<16xi1>, vector<16xi32>
      %select_n3A_397 = arith.select %gt3A_391, %get3A_390, %select_n3A_382 : vector<16xi1>, vector<16xf32>
      %select_n3A_398 = arith.select %gt3A_391, %broadcast_in_dim3A_385, %select_n3A_383 : vector<16xi1>, vector<16xi32>
      %broadcast_in_dim3A_399 = arith.constant 6 : i32
      %broadcast_in_dim3A_400 = vector.broadcast %broadcast_in_dim3A_399 : i32 to vector<16xi32>
      %get3A_401 = arith.constant 6 : i32
      %get3A_402 = arith.index_cast %get3A_401 : i32 to index
      %get3A_403 = arith.index_cast %mul3A_314 : i32 to index
      %get3A_404 = tpu.vector_load %arg7[%get3A_402, %get3A_403] {strides = array<i32>} : memref<8x1024xf32, #tpu.memory_space<vmem>>, vector<1x16xf32>,
      %get3A_405 = vector.shape_cast %get3A_404 : vector<1x16xf32> to vector<16xf32>
      %gt3A_406 = arith.cmpf ogt, %get3A_405, %select_n3A_397 : vector<16xf32>
      %gt3A_407 = arith.cmpf ogt, %get3A_405, %select_n3A_394 : vector<16xf32>
      %select_n3A_408 = arith.select %gt3A_407, %get3A_405, %select_n3A_394 : vector<16xi1>, vector<16xf32>
      %select_n3A_409 = arith.select %gt3A_406, %select_n3A_397, %select_n3A_408 : vector<16xi1>, vector<16xf32>
      %select_n3A_410 = arith.select %gt3A_407, %broadcast_in_dim3A_400, %select_n3A_396 : vector<16xi1>, vector<16xi32>
      %select_n3A_411 = arith.select %gt3A_406, %select_n3A_398, %select_n3A_410 : vector<16xi1>, vector<16xi32>
      %select_n3A_412 = arith.select %gt3A_406, %get3A_405, %select_n3A_397 : vector<16xi1>, vector<16xf32>
      %select_n3A_413 = arith.select %gt3A_406, %broadcast_in_dim3A_400, %select_n3A_398 : vector<16xi1>, vector<16xi32>
      %broadcast_in_dim3A_414 = arith.constant 7 : i32
      %broadcast_in_dim3A_415 = vector.broadcast %broadcast_in_dim3A_414 : i32 to vector<16xi32>
      %get3A_416 = arith.constant 7 : i32
      %get3A_417 = arith.index_cast %get3A_416 : i32 to index
      %get3A_418 = arith.index_cast %mul3A_314 : i32 to index
      %get3A_419 = tpu.vector_load %arg7[%get3A_417, %get3A_418] {strides = array<i32>} : memref<8x1024xf32, #tpu.memory_space<vmem>>, vector<1x16xf32>,
      %get3A_420 = vector.shape_cast %get3A_419 : vector<1x16xf32> to vector<16xf32>
      %gt3A_421 = arith.cmpf ogt, %get3A_420, %select_n3A_412 : vector<16xf32>
      %gt3A_422 = arith.cmpf ogt, %get3A_420, %select_n3A_409 : vector<16xf32>
      %select_n3A_423 = arith.select %gt3A_422, %get3A_420, %select_n3A_409 : vector<16xi1>, vector<16xf32>
      %select_n3A_424 = arith.select %gt3A_421, %select_n3A_412, %select_n3A_423 : vector<16xi1>, vector<16xf32>
      %select_n3A_425 = arith.select %gt3A_422, %broadcast_in_dim3A_415, %select_n3A_411 : vector<16xi1>, vector<16xi32>
      %select_n3A_426 = arith.select %gt3A_421, %select_n3A_413, %select_n3A_425 : vector<16xi1>, vector<16xi32>
      %select_n3A_427 = arith.select %gt3A_421, %get3A_420, %select_n3A_412 : vector<16xi1>, vector<16xf32>
      %select_n3A_428 = arith.select %gt3A_421, %broadcast_in_dim3A_415, %select_n3A_413 : vector<16xi1>, vector<16xi32>
      %sub3A_429 = arith.subf %select_n3A_424, %select_n3A_427 : vector<16xf32>
      %exp3A_430 = math.exp %sub3A_429 : vector<16xf32>
      %add3A_431 = arith.constant 1.000000e+00 : f32
      %add3A_432 = vector.broadcast %add3A_431 : f32 to vector<16xf32>
      %add3A_433 = arith.addf %add3A_432, %exp3A_430 : vector<16xf32>
      %div3A_434 = arith.constant 1.000000e+00 : f32
      %div3A_435 = vector.broadcast %div3A_434 : f32 to vector<16xf32>
      %div3A_436 = arith.divf %div3A_435, %add3A_433 : vector<16xf32>
      %swap3A_437 = arith.index_cast %mul3A_314 : i32 to index
      %swap3A_438 = tpu.vector_load %arg8[%swap3A_437] {strides = array<i32>} : memref<1024xf32, #tpu.memory_space<vmem>>, vector<16xf32>,
      %swap3A_439 = vector.shape_cast %swap3A_438 : vector<16xf32> to vector<16xf32>
      %swap3A_440 = vector.shape_cast %div3A_436 : vector<16xf32> to vector<16xf32>
      tpu.vector_store %arg8[%swap3A_437], %swap3A_440 {strides = array<i32>} : memref<1024xf32, #tpu.memory_space<vmem>>, vector<16xf32>,
      %sub3A_441 = arith.constant 1.000000e+00 : f32
      %sub3A_442 = vector.broadcast %sub3A_441 : f32 to vector<16xf32>
      %sub3A_443 = arith.subf %sub3A_442, %div3A_436 : vector<16xf32>
      %swap3A_444 = arith.index_cast %mul3A_314 : i32 to index
      %swap3A_445 = tpu.vector_load %arg9[%swap3A_444] {strides = array<i32>} : memref<1024xf32, #tpu.memory_space<vmem>>, vector<16xf32>,
      %swap3A_446 = vector.shape_cast %swap3A_445 : vector<16xf32> to vector<16xf32>
      %swap3A_447 = vector.shape_cast %sub3A_443 : vector<16xf32> to vector<16xf32>
      tpu.vector_store %arg9[%swap3A_444], %swap3A_447 {strides = array<i32>} : memref<1024xf32, #tpu.memory_space<vmem>>, vector<16xf32>,
      %swap3A_448 = arith.index_cast %mul3A_314 : i32 to index
      %swap3A_449 = tpu.vector_load %arg10[%swap3A_448] {strides = array<i32>} : memref<1024xi32, #tpu.memory_space<vmem>>, vector<16xi32>,
      %swap3A_450 = vector.shape_cast %swap3A_449 : vector<16xi32> to vector<16xi32>
      %swap3A_451 = vector.shape_cast %select_n3A_428 : vector<16xi32> to vector<16xi32>
      tpu.vector_store %arg10[%swap3A_448], %swap3A_451 {strides = array<i32>} : memref<1024xi32, #tpu.memory_space<vmem>>, vector<16xi32>,
      %swap3A_452 = arith.index_cast %mul3A_314 : i32 to index
      %swap3A_453 = tpu.vector_load %arg11[%swap3A_452] {strides = array<i32>} : memref<1024xi32, #tpu.memory_space<vmem>>, vector<16xi32>,
      %swap3A_454 = vector.shape_cast %swap3A_453 : vector<16xi32> to vector<16xi32>
      %swap3A_455 = vector.shape_cast %select_n3A_426 : vector<16xi32> to vector<16xi32>
      tpu.vector_store %arg11[%swap3A_452], %swap3A_455 {strides = array<i32>} : memref<1024xi32, #tpu.memory_space<vmem>>, vector<16xi32>,
      %scan3A_456 = arith.constant 3 : i32
      %scan3A_457 = arith.addi %scan3A_30, %scan3A_456 : i32
      %mul3A_458 = arith.constant 16 : i32
      %mul3A_459 = arith.muli %scan3A_457, %mul3A_458 : i32
      %get3A_460 = arith.constant 0 : i32
      %get3A_461 = arith.index_cast %get3A_460 : i32 to index
      %get3A_462 = arith.index_cast %mul3A_459 : i32 to index
      %get3A_463 = tpu.vector_load %arg7[%get3A_461, %get3A_462] {strides = array<i32>} : memref<8x1024xf32, #tpu.memory_space<vmem>>, vector<1x16xf32>,
      %get3A_464 = vector.shape_cast %get3A_463 : vector<1x16xf32> to vector<16xf32>
      %broadcast_in_dim3A_465 = arith.constant 0 : i32
      %broadcast_in_dim3A_466 = vector.broadcast %broadcast_in_dim3A_465 : i32 to vector<16xi32>
      %broadcast_in_dim3A_467 = arith.constant 0xFF800000 : f32
      %broadcast_in_dim3A_468 = vector.broadcast %broadcast_in_dim3A_467 : f32 to vector<16xf32>
      %broadcast_in_dim3A_469 = arith.constant 1 : i32
      %broadcast_in_dim3A_470 = vector.broadcast %broadcast_in_dim3A_469 : i32 to vector<16xi32>
      %get3A_471 = arith.constant 1 : i32
      %get3A_472 = arith.index_cast %get3A_471 : i32 to index
      %get3A_473 = arith.index_cast %mul3A_459 : i32 to index
      %get3A_474 = tpu.vector_load %arg7[%get3A_472, %get3A_473] {strides = array<i32>} : memref<8x1024xf32, #tpu.memory_space<vmem>>, vector<1x16xf32>,
      %get3A_475 = vector.shape_cast %get3A_474 : vector<1x16xf32> to vector<16xf32>
      %gt3A_476 = arith.cmpf ogt, %get3A_475, %get3A_464 : vector<16xf32>
      %gt3A_477 = arith.cmpf ogt, %get3A_475, %broadcast_in_dim3A_468 : vector<16xf32>
      %select_n3A_478 = arith.select %gt3A_477, %get3A_475, %broadcast_in_dim3A_468 : vector<16xi1>, vector<16xf32>
      %select_n3A_479 = arith.select %gt3A_476, %get3A_464, %select_n3A_478 : vector<16xi1>, vector<16xf32>
      %select_n3A_480 = arith.select %gt3A_477, %broadcast_in_dim3A_470, %broadcast_in_dim3A_466 : vector<16xi1>, vector<16xi32>
      %select_n3A_481 = arith.select %gt3A_476, %broadcast_in_dim3A_466, %select_n3A_480 : vector<16xi1>, vector<16xi32>
      %select_n3A_482 = arith.select %gt3A_476, %get3A_475, %get3A_464 : vector<16xi1>, vector<16xf32>
      %select_n3A_483 = arith.select %gt3A_476, %broadcast_in_dim3A_470, %broadcast_in_dim3A_466 : vector<16xi1>, vector<16xi32>
      %broadcast_in_dim3A_484 = arith.constant 2 : i32
      %broadcast_in_dim3A_485 = vector.broadcast %broadcast_in_dim3A_484 : i32 to vector<16xi32>
      %get3A_486 = arith.constant 2 : i32
      %get3A_487 = arith.index_cast %get3A_486 : i32 to index
      %get3A_488 = arith.index_cast %mul3A_459 : i32 to index
      %get3A_489 = tpu.vector_load %arg7[%get3A_487, %get3A_488] {strides = array<i32>} : memref<8x1024xf32, #tpu.memory_space<vmem>>, vector<1x16xf32>,
      %get3A_490 = vector.shape_cast %get3A_489 : vector<1x16xf32> to vector<16xf32>
      %gt3A_491 = arith.cmpf ogt, %get3A_490, %select_n3A_482 : vector<16xf32>
      %gt3A_492 = arith.cmpf ogt, %get3A_490, %select_n3A_479 : vector<16xf32>
      %select_n3A_493 = arith.select %gt3A_492, %get3A_490, %select_n3A_479 : vector<16xi1>, vector<16xf32>
      %select_n3A_494 = arith.select %gt3A_491, %select_n3A_482, %select_n3A_493 : vector<16xi1>, vector<16xf32>
      %select_n3A_495 = arith.select %gt3A_492, %broadcast_in_dim3A_485, %select_n3A_481 : vector<16xi1>, vector<16xi32>
      %select_n3A_496 = arith.select %gt3A_491, %select_n3A_483, %select_n3A_495 : vector<16xi1>, vector<16xi32>
      %select_n3A_497 = arith.select %gt3A_491, %get3A_490, %select_n3A_482 : vector<16xi1>, vector<16xf32>
      %select_n3A_498 = arith.select %gt3A_491, %broadcast_in_dim3A_485, %select_n3A_483 : vector<16xi1>, vector<16xi32>
      %broadcast_in_dim3A_499 = arith.constant 3 : i32
      %broadcast_in_dim3A_500 = vector.broadcast %broadcast_in_dim3A_499 : i32 to vector<16xi32>
      %get3A_501 = arith.constant 3 : i32
      %get3A_502 = arith.index_cast %get3A_501 : i32 to index
      %get3A_503 = arith.index_cast %mul3A_459 : i32 to index
      %get3A_504 = tpu.vector_load %arg7[%get3A_502, %get3A_503] {strides = array<i32>} : memref<8x1024xf32, #tpu.memory_space<vmem>>, vector<1x16xf32>,
      %get3A_505 = vector.shape_cast %get3A_504 : vector<1x16xf32> to vector<16xf32>
      %gt3A_506 = arith.cmpf ogt, %get3A_505, %select_n3A_497 : vector<16xf32>
      %gt3A_507 = arith.cmpf ogt, %get3A_505, %select_n3A_494 : vector<16xf32>
      %select_n3A_508 = arith.select %gt3A_507, %get3A_505, %select_n3A_494 : vector<16xi1>, vector<16xf32>
      %select_n3A_509 = arith.select %gt3A_506, %select_n3A_497, %select_n3A_508 : vector<16xi1>, vector<16xf32>
      %select_n3A_510 = arith.select %gt3A_507, %broadcast_in_dim3A_500, %select_n3A_496 : vector<16xi1>, vector<16xi32>
      %select_n3A_511 = arith.select %gt3A_506, %select_n3A_498, %select_n3A_510 : vector<16xi1>, vector<16xi32>
      %select_n3A_512 = arith.select %gt3A_506, %get3A_505, %select_n3A_497 : vector<16xi1>, vector<16xf32>
      %select_n3A_513 = arith.select %gt3A_506, %broadcast_in_dim3A_500, %select_n3A_498 : vector<16xi1>, vector<16xi32>
      %broadcast_in_dim3A_514 = arith.constant 4 : i32
      %broadcast_in_dim3A_515 = vector.broadcast %broadcast_in_dim3A_514 : i32 to vector<16xi32>
      %get3A_516 = arith.constant 4 : i32
      %get3A_517 = arith.index_cast %get3A_516 : i32 to index
      %get3A_518 = arith.index_cast %mul3A_459 : i32 to index
      %get3A_519 = tpu.vector_load %arg7[%get3A_517, %get3A_518] {strides = array<i32>} : memref<8x1024xf32, #tpu.memory_space<vmem>>, vector<1x16xf32>,
      %get3A_520 = vector.shape_cast %get3A_519 : vector<1x16xf32> to vector<16xf32>
      %gt3A_521 = arith.cmpf ogt, %get3A_520, %select_n3A_512 : vector<16xf32>
      %gt3A_522 = arith.cmpf ogt, %get3A_520, %select_n3A_509 : vector<16xf32>
      %select_n3A_523 = arith.select %gt3A_522, %get3A_520, %select_n3A_509 : vector<16xi1>, vector<16xf32>
      %select_n3A_524 = arith.select %gt3A_521, %select_n3A_512, %select_n3A_523 : vector<16xi1>, vector<16xf32>
      %select_n3A_525 = arith.select %gt3A_522, %broadcast_in_dim3A_515, %select_n3A_511 : vector<16xi1>, vector<16xi32>
      %select_n3A_526 = arith.select %gt3A_521, %select_n3A_513, %select_n3A_525 : vector<16xi1>, vector<16xi32>
      %select_n3A_527 = arith.select %gt3A_521, %get3A_520, %select_n3A_512 : vector<16xi1>, vector<16xf32>
      %select_n3A_528 = arith.select %gt3A_521, %broadcast_in_dim3A_515, %select_n3A_513 : vector<16xi1>, vector<16xi32>
      %broadcast_in_dim3A_529 = arith.constant 5 : i32
      %broadcast_in_dim3A_530 = vector.broadcast %broadcast_in_dim3A_529 : i32 to vector<16xi32>
      %get3A_531 = arith.constant 5 : i32
      %get3A_532 = arith.index_cast %get3A_531 : i32 to index
      %get3A_533 = arith.index_cast %mul3A_459 : i32 to index
      %get3A_534 = tpu.vector_load %arg7[%get3A_532, %get3A_533] {strides = array<i32>} : memref<8x1024xf32, #tpu.memory_space<vmem>>, vector<1x16xf32>,
      %get3A_535 = vector.shape_cast %get3A_534 : vector<1x16xf32> to vector<16xf32>
      %gt3A_536 = arith.cmpf ogt, %get3A_535, %select_n3A_527 : vector<16xf32>
      %gt3A_537 = arith.cmpf ogt, %get3A_535, %select_n3A_524 : vector<16xf32>
      %select_n3A_538 = arith.select %gt3A_537, %get3A_535, %select_n3A_524 : vector<16xi1>, vector<16xf32>
      %select_n3A_539 = arith.select %gt3A_536, %select_n3A_527, %select_n3A_538 : vector<16xi1>, vector<16xf32>
      %select_n3A_540 = arith.select %gt3A_537, %broadcast_in_dim3A_530, %select_n3A_526 : vector<16xi1>, vector<16xi32>
      %select_n3A_541 = arith.select %gt3A_536, %select_n3A_528, %select_n3A_540 : vector<16xi1>, vector<16xi32>
      %select_n3A_542 = arith.select %gt3A_536, %get3A_535, %select_n3A_527 : vector<16xi1>, vector<16xf32>
      %select_n3A_543 = arith.select %gt3A_536, %broadcast_in_dim3A_530, %select_n3A_528 : vector<16xi1>, vector<16xi32>
      %broadcast_in_dim3A_544 = arith.constant 6 : i32
      %broadcast_in_dim3A_545 = vector.broadcast %broadcast_in_dim3A_544 : i32 to vector<16xi32>
      %get3A_546 = arith.constant 6 : i32
      %get3A_547 = arith.index_cast %get3A_546 : i32 to index
      %get3A_548 = arith.index_cast %mul3A_459 : i32 to index
      %get3A_549 = tpu.vector_load %arg7[%get3A_547, %get3A_548] {strides = array<i32>} : memref<8x1024xf32, #tpu.memory_space<vmem>>, vector<1x16xf32>,
      %get3A_550 = vector.shape_cast %get3A_549 : vector<1x16xf32> to vector<16xf32>
      %gt3A_551 = arith.cmpf ogt, %get3A_550, %select_n3A_542 : vector<16xf32>
      %gt3A_552 = arith.cmpf ogt, %get3A_550, %select_n3A_539 : vector<16xf32>
      %select_n3A_553 = arith.select %gt3A_552, %get3A_550, %select_n3A_539 : vector<16xi1>, vector<16xf32>
      %select_n3A_554 = arith.select %gt3A_551, %select_n3A_542, %select_n3A_553 : vector<16xi1>, vector<16xf32>
      %select_n3A_555 = arith.select %gt3A_552, %broadcast_in_dim3A_545, %select_n3A_541 : vector<16xi1>, vector<16xi32>
      %select_n3A_556 = arith.select %gt3A_551, %select_n3A_543, %select_n3A_555 : vector<16xi1>, vector<16xi32>
      %select_n3A_557 = arith.select %gt3A_551, %get3A_550, %select_n3A_542 : vector<16xi1>, vector<16xf32>
      %select_n3A_558 = arith.select %gt3A_551, %broadcast_in_dim3A_545, %select_n3A_543 : vector<16xi1>, vector<16xi32>
      %broadcast_in_dim3A_559 = arith.constant 7 : i32
      %broadcast_in_dim3A_560 = vector.broadcast %broadcast_in_dim3A_559 : i32 to vector<16xi32>
      %get3A_561 = arith.constant 7 : i32
      %get3A_562 = arith.index_cast %get3A_561 : i32 to index
      %get3A_563 = arith.index_cast %mul3A_459 : i32 to index
      %get3A_564 = tpu.vector_load %arg7[%get3A_562, %get3A_563] {strides = array<i32>} : memref<8x1024xf32, #tpu.memory_space<vmem>>, vector<1x16xf32>,
      %get3A_565 = vector.shape_cast %get3A_564 : vector<1x16xf32> to vector<16xf32>
      %gt3A_566 = arith.cmpf ogt, %get3A_565, %select_n3A_557 : vector<16xf32>
      %gt3A_567 = arith.cmpf ogt, %get3A_565, %select_n3A_554 : vector<16xf32>
      %select_n3A_568 = arith.select %gt3A_567, %get3A_565, %select_n3A_554 : vector<16xi1>, vector<16xf32>
      %select_n3A_569 = arith.select %gt3A_566, %select_n3A_557, %select_n3A_568 : vector<16xi1>, vector<16xf32>
      %select_n3A_570 = arith.select %gt3A_567, %broadcast_in_dim3A_560, %select_n3A_556 : vector<16xi1>, vector<16xi32>
      %select_n3A_571 = arith.select %gt3A_566, %select_n3A_558, %select_n3A_570 : vector<16xi1>, vector<16xi32>
      %select_n3A_572 = arith.select %gt3A_566, %get3A_565, %select_n3A_557 : vector<16xi1>, vector<16xf32>
      %select_n3A_573 = arith.select %gt3A_566, %broadcast_in_dim3A_560, %select_n3A_558 : vector<16xi1>, vector<16xi32>
      %sub3A_574 = arith.subf %select_n3A_569, %select_n3A_572 : vector<16xf32>
      %exp3A_575 = math.exp %sub3A_574 : vector<16xf32>
      %add3A_576 = arith.constant 1.000000e+00 : f32
      %add3A_577 = vector.broadcast %add3A_576 : f32 to vector<16xf32>
      %add3A_578 = arith.addf %add3A_577, %exp3A_575 : vector<16xf32>
      %div3A_579 = arith.constant 1.000000e+00 : f32
      %div3A_580 = vector.broadcast %div3A_579 : f32 to vector<16xf32>
      %div3A_581 = arith.divf %div3A_580, %add3A_578 : vector<16xf32>
      %swap3A_582 = arith.index_cast %mul3A_459 : i32 to index
      %swap3A_583 = tpu.vector_load %arg8[%swap3A_582] {strides = array<i32>} : memref<1024xf32, #tpu.memory_space<vmem>>, vector<16xf32>,
      %swap3A_584 = vector.shape_cast %swap3A_583 : vector<16xf32> to vector<16xf32>
      %swap3A_585 = vector.shape_cast %div3A_581 : vector<16xf32> to vector<16xf32>
      tpu.vector_store %arg8[%swap3A_582], %swap3A_585 {strides = array<i32>} : memref<1024xf32, #tpu.memory_space<vmem>>, vector<16xf32>,
      %sub3A_586 = arith.constant 1.000000e+00 : f32
      %sub3A_587 = vector.broadcast %sub3A_586 : f32 to vector<16xf32>
      %sub3A_588 = arith.subf %sub3A_587, %div3A_581 : vector<16xf32>
      %swap3A_589 = arith.index_cast %mul3A_459 : i32 to index
      %swap3A_590 = tpu.vector_load %arg9[%swap3A_589] {strides = array<i32>} : memref<1024xf32, #tpu.memory_space<vmem>>, vector<16xf32>,
      %swap3A_591 = vector.shape_cast %swap3A_590 : vector<16xf32> to vector<16xf32>
      %swap3A_592 = vector.shape_cast %sub3A_588 : vector<16xf32> to vector<16xf32>
      tpu.vector_store %arg9[%swap3A_589], %swap3A_592 {strides = array<i32>} : memref<1024xf32, #tpu.memory_space<vmem>>, vector<16xf32>,
      %swap3A_593 = arith.index_cast %mul3A_459 : i32 to index
      %swap3A_594 = tpu.vector_load %arg10[%swap3A_593] {strides = array<i32>} : memref<1024xi32, #tpu.memory_space<vmem>>, vector<16xi32>,
      %swap3A_595 = vector.shape_cast %swap3A_594 : vector<16xi32> to vector<16xi32>
      %swap3A_596 = vector.shape_cast %select_n3A_573 : vector<16xi32> to vector<16xi32>
      tpu.vector_store %arg10[%swap3A_593], %swap3A_596 {strides = array<i32>} : memref<1024xi32, #tpu.memory_space<vmem>>, vector<16xi32>,
      %swap3A_597 = arith.index_cast %mul3A_459 : i32 to index
      %swap3A_598 = tpu.vector_load %arg11[%swap3A_597] {strides = array<i32>} : memref<1024xi32, #tpu.memory_space<vmem>>, vector<16xi32>,
      %swap3A_599 = vector.shape_cast %swap3A_598 : vector<16xi32> to vector<16xi32>
      %swap3A_600 = vector.shape_cast %select_n3A_571 : vector<16xi32> to vector<16xi32>
      tpu.vector_store %arg11[%swap3A_597], %swap3A_600 {strides = array<i32>} : memref<1024xi32, #tpu.memory_space<vmem>>, vector<16xi32>,
    }
    %scan3A_13 = arith.constant 64 : i32
    %dma_start3A_14 = tpu.memref_slice %arg3[%mul3A_2] : memref<32768xf32, #tpu.memory_space<hbm>> -> memref<1024xf32, #tpu.memory_space<hbm>>
    %dma_start3A_15 = tpu.memref_slice %arg3[%mul3A_2] : memref<32768xf32, #tpu.memory_space<hbm>> -> memref<1024xf32, #tpu.memory_space<hbm>>
    tpu.enqueue_dma source(%arg8 : memref<1024xf32, #tpu.memory_space<vmem>>) target(%dma_start3A_15 : memref<1024xf32, #tpu.memory_space<hbm>>) target_semaphore(%arg12 : memref<!tpu.dma_semaphore, #tpu.memory_space<semaphore_mem>>)
    %dma_start3A_16 = tpu.memref_slice %arg4[%mul3A_2] : memref<32768xf32, #tpu.memory_space<hbm>> -> memref<1024xf32, #tpu.memory_space<hbm>>
    %dma_start3A_17 = tpu.memref_slice %arg4[%mul3A_2] : memref<32768xf32, #tpu.memory_space<hbm>> -> memref<1024xf32, #tpu.memory_space<hbm>>
    tpu.enqueue_dma source(%arg9 : memref<1024xf32, #tpu.memory_space<vmem>>) target(%dma_start3A_17 : memref<1024xf32, #tpu.memory_space<hbm>>) target_semaphore(%arg12 : memref<!tpu.dma_semaphore, #tpu.memory_space<semaphore_mem>>)
    %dma_start3A_18 = tpu.memref_slice %arg5[%mul3A_2] : memref<32768xi32, #tpu.memory_space<hbm>> -> memref<1024xi32, #tpu.memory_space<hbm>>
    %dma_start3A_19 = tpu.memref_slice %arg5[%mul3A_2] : memref<32768xi32, #tpu.memory_space<hbm>> -> memref<1024xi32, #tpu.memory_space<hbm>>
    tpu.enqueue_dma source(%arg10 : memref<1024xi32, #tpu.memory_space<vmem>>) target(%dma_start3A_19 : memref<1024xi32, #tpu.memory_space<hbm>>) target_semaphore(%arg12 : memref<!tpu.dma_semaphore, #tpu.memory_space<semaphore_mem>>)
    %dma_start3A_20 = tpu.memref_slice %arg6[%mul3A_2] : memref<32768xi32, #tpu.memory_space<hbm>> -> memref<1024xi32, #tpu.memory_space<hbm>>
    %dma_start3A_21 = tpu.memref_slice %arg6[%mul3A_2] : memref<32768xi32, #tpu.memory_space<hbm>> -> memref<1024xi32, #tpu.memory_space<hbm>>
    tpu.enqueue_dma source(%arg11 : memref<1024xi32, #tpu.memory_space<vmem>>) target(%dma_start3A_21 : memref<1024xi32, #tpu.memory_space<hbm>>) target_semaphore(%arg12 : memref<!tpu.dma_semaphore, #tpu.memory_space<semaphore_mem>>)
    %dma_wait3A_22 = tpu.memref_slice %arg3[%mul3A_2] : memref<32768xf32, #tpu.memory_space<hbm>> -> memref<1024xf32, #tpu.memory_space<hbm>>
    %dma_wait3A_23 = tpu.memref_slice %arg3[%mul3A_2] : memref<32768xf32, #tpu.memory_space<hbm>> -> memref<1024xf32, #tpu.memory_space<hbm>>
    tpu.wait_dma2 semaphore(%arg12 : memref<!tpu.dma_semaphore, #tpu.memory_space<semaphore_mem>>) src(%arg8 : memref<1024xf32, #tpu.memory_space<vmem>>) dst(%dma_wait3A_23 : memref<1024xf32, #tpu.memory_space<hbm>>)
    %dma_wait3A_24 = tpu.memref_slice %arg4[%mul3A_2] : memref<32768xf32, #tpu.memory_space<hbm>> -> memref<1024xf32, #tpu.memory_space<hbm>>
    %dma_wait3A_25 = tpu.memref_slice %arg4[%mul3A_2] : memref<32768xf32, #tpu.memory_space<hbm>> -> memref<1024xf32, #tpu.memory_space<hbm>>
    tpu.wait_dma2 semaphore(%arg12 : memref<!tpu.dma_semaphore, #tpu.memory_space<semaphore_mem>>) src(%arg9 : memref<1024xf32, #tpu.memory_space<vmem>>) dst(%dma_wait3A_25 : memref<1024xf32, #tpu.memory_space<hbm>>)
    %dma_wait3A_26 = tpu.memref_slice %arg5[%mul3A_2] : memref<32768xi32, #tpu.memory_space<hbm>> -> memref<1024xi32, #tpu.memory_space<hbm>>
    %dma_wait3A_27 = tpu.memref_slice %arg5[%mul3A_2] : memref<32768xi32, #tpu.memory_space<hbm>> -> memref<1024xi32, #tpu.memory_space<hbm>>
    tpu.wait_dma2 semaphore(%arg12 : memref<!tpu.dma_semaphore, #tpu.memory_space<semaphore_mem>>) src(%arg10 : memref<1024xi32, #tpu.memory_space<vmem>>) dst(%dma_wait3A_27 : memref<1024xi32, #tpu.memory_space<hbm>>)
    %dma_wait3A_28 = tpu.memref_slice %arg6[%mul3A_2] : memref<32768xi32, #tpu.memory_space<hbm>> -> memref<1024xi32, #tpu.memory_space<hbm>>
    %dma_wait3A_29 = tpu.memref_slice %arg6[%mul3A_2] : memref<32768xi32, #tpu.memory_space<hbm>> -> memref<1024xi32, #tpu.memory_space<hbm>>
    tpu.wait_dma2 semaphore(%arg12 : memref<!tpu.dma_semaphore, #tpu.memory_space<semaphore_mem>>) src(%arg11 : memref<1024xi32, #tpu.memory_space<vmem>>) dst(%dma_wait3A_29 : memref<1024xi32, #tpu.memory_space<hbm>>)
    return
  }
}

module attributes {stable_mosaic.version = 14 : i64} {
  func.func @_gate_body(%arg0: i32, %arg1: memref<2048x1024xf32, #tpu.memory_space<vmem>>, %arg2: memref<1024x8xf32, #tpu.memory_space<vmem>>, %arg3: memref<1x8xf32, #tpu.memory_space<vmem>>, %arg4: memref<8x2048xf32, #tpu.memory_space<vmem>>) attributes {dimension_semantics = [#tpu.dimension_semantics<arbitrary>], iteration_bounds = array<i64: 16>, scalar_prefetch = 0 : i64, scratch_operands = 0 : i64, tpu.core_type = #tpu.core_type<tc>, window_params = [{transform_indices = @transform_0, window_bounds = array<i64: 2048, 1024>}, {pipeline_mode = #tpu.pipeline_mode<synchronous>, transform_indices = @transform_1, window_bounds = array<i64: 1024, 8>}, {pipeline_mode = #tpu.pipeline_mode<synchronous>, transform_indices = @transform_2, window_bounds = array<i64: 1, 8>}, {transform_indices = @transform_3, window_bounds = array<i64: 8, 2048>}]} {
    %get3A = arith.constant 0 : index
    %get3A_0 = arith.constant 0 : index
    %get3A_1 = vector.load %arg1[%get3A, %get3A_0] : memref<2048x1024xf32, #tpu.memory_space<vmem>>, vector<2048x1024xf32>
    %get3A_2 = arith.constant 0 : index
    %get3A_3 = arith.constant 0 : index
    %get3A_4 = vector.load %arg2[%get3A_2, %get3A_3] : memref<1024x8xf32, #tpu.memory_space<vmem>>, vector<1024x8xf32>
    %dot_general3A = arith.constant dense<0.000000e+00> : vector<2048x8xf32>
    %dot_general3A_5 = tpu.matmul %get3A_1, %get3A_4, %dot_general3A {dimension_numbers = #tpu.dot_dimension_numbers<[1], [0], [0], [1], [0, 0, 1, 1], [], []>, transpose_lhs_hint = false} : vector<2048x1024xf32>, vector<1024x8xf32>, vector<2048x8xf32> -> vector<2048x8xf32>
    %get3A_6 = arith.constant 0 : index
    %get3A_7 = arith.constant 0 : index
    %get3A_8 = vector.load %arg3[%get3A_6, %get3A_7] : memref<1x8xf32, #tpu.memory_space<vmem>>, vector<1x8xf32>
    %add3A = vector.broadcast %get3A_8 : vector<1x8xf32> to vector<2048x8xf32>
    %add3A_9 = arith.addf %dot_general3A_5, %add3A : vector<2048x8xf32>
    %transpose3A = tpu.transpose %add3A_9, [1, 0] : vector<2048x8xf32> -> vector<8x2048xf32>
    %swap3A = arith.constant 0 : index
    %swap3A_10 = arith.constant 0 : index
    %swap3A_11 = vector.load %arg4[%swap3A, %swap3A_10] : memref<8x2048xf32, #tpu.memory_space<vmem>>, vector<8x2048xf32>
    tpu.vector_store %arg4[%swap3A, %swap3A_10], %transpose3A {strides = array<i32>} : memref<8x2048xf32, #tpu.memory_space<vmem>>, vector<8x2048xf32>,
    return
  }
  func.func @transform_0(%arg0: i32) -> (i32, i32) {
    %c0_i32 = arith.constant 0 : i32
    %c0_i32_0 = arith.constant 0 : i32
    return %arg0, %c0_i32 : i32, i32
  }
  func.func @transform_1(%arg0: i32) -> (i32, i32) {
    %c0_i32 = arith.constant 0 : i32
    %c0_i32_0 = arith.constant 0 : i32
    %c0_i32_1 = arith.constant 0 : i32
    return %c0_i32, %c0_i32_0 : i32, i32
  }
  func.func @transform_2(%arg0: i32) -> (i32, i32) {
    %c0_i32 = arith.constant 0 : i32
    %c0_i32_0 = arith.constant 0 : i32
    %c0_i32_1 = arith.constant 0 : i32
    return %c0_i32, %c0_i32_0 : i32, i32
  }
  func.func @transform_3(%arg0: i32) -> (i32, i32) {
    %c0_i32 = arith.constant 0 : i32
    %c0_i32_0 = arith.constant 0 : i32
    return %c0_i32, %arg0 : i32, i32
  }
}

</mosaic_0001>

<sc_bundles>
// kernel: kernel.4.cloned.1.call-start
scs
__scs_entry_jumppad:
0x0: {  	(pc) =	sbr.rel $0x88, $3  }
0x1: {  	(tag) =	ssettag $0x0;
	lr =	simm.s32 $0x1  }
0x2: {  	[smem:$0x3F9E] =	sst lr;
	_ =	strace $0xD0000000  }
0x3: {  	_ = 	snop  }
0x4: {  	_ = 	snop  }
0x5: {  	_ = 	snop  }
0x6: {  	_ = 	snop  }
0x7: {  	_ = 	snop  }
__scs_overlays_trampoline_lowered:
0x8: {  	[smem:$0x3FAD] =	sst s0  }
0x9: {  	[smem:$0x3FAE] =	sst s1  }
0xa: {  	[smem:$0x3FAF] =	sst s2  }
0xb: {  	[smem:$0x3FB0] =	sst s3  }
0xc: {  	[smem:$0x3FB1] =	sst s4  }
0xd: {  	[smem:$0x3FB2] =	sst s5  }
0xe: {  	[smem:$0x3FB3] =	sst s6  }
0xf: {  	[smem:$0x3FB4] =	sst s7  }
0x10: {  	[smem:$0x3FB5] =	sst s8  }
0x11: {  	[smem:$0x3FB6] =	sst s9;
	s0 =	simm.s32 @!p0 $0x0  }
0x12: {  	s1 =	sld [smem:$0x3F9C];
	s0 =	simm.s32 @p0 $0x1  }
0x13: {  	[smem:$0x3FB7] =	sst s0;
	s0 =	simm.s32 @!p1 $0x0  }
0x14: {  	s2 =	sld [smem:$0x3F9B];
	s0 =	simm.s32 @p1 $0x1  }
0x15: {  	[smem:$0x3FB8] =	sst s0;
	s0 =	simm.s32 @!p2 $0x0  }
0x16: {  	s3 =	sld [smem:$0x3FDB];
	s0 =	simm.s32 @p2 $0x1  }
0x17: {  	s4 =	simm.s32 $0x1BF5;
	[smem:$0x3FBA] =	sst s0  }
0x18: {  	s0 =	sld [smem:$0x3F9D];
	_ =	swait.ge [sflag:s4], $0x0  }
0x19: {  	s7 =	sld [smem:$0x3F9E]  }
0x1a: {  	s8 =	sadd.s32 $0xFFFFE003, lr  }
0x1b: {  	s9 =	sadd.s32 $0xFFFFFEF7, lr;
	s5 =	simm.s32 $0xFFFFFFFF;
	p2 =	slt.u32 s8, $0xFFFFF086  }
0x1c: {  	p1 =	slt.u32 s9, $0xF7A;
	s5 =	simm.s32 @!p2 $0x0  }
0x1d: {  	s5 =	simm.s32 @p1 $0x1;
	p0 =	seq.s32 s7, s2  }
0x1e: {  	s7 =	smul.u32 @!p0 $0xF7A, s2;
	p2 =	seq.s32 @!p0 s5, $0x0  }
0x1f: {  	s9 =	smul.u32 $0xF7A, s1;
	s8 =	simm.s32 @!p0 $0x1BF5;
	p2 =	por !p2, p0  }
0x20: {  	[sflag:s8] =	ssyncset.s32 @!p0 $0xFFFFF086;
	s6 =	sadd.s32 @!p0 s3, s7;
	s7 =	simm.s32 @!p0 $0x108  }
0x21: {  	s3 =	sadd.s32 s3, s9;
	s6 =	sadd.s32 @!p0 $0x88, s6;
	s7 =	simm.s32 @p2 $0x1082  }
0x22: {  	[simem:s7], [sflag:s8] =	dma.local @!p0 [hbm:s6], $0xF7A  }
0x23: {  	s9 =	sor.u32 $0xD0000000, s2;
	s6 =	simm.s32 $0x108;
	_ =	swait.ge @!p0 [sflag:s8], $0x0  }
0x24: {  	s3 =	sadd.s32 $0x88, s3;
	s6 =	simm.s32 @!p1 $0x1082;
	[sflag:s4] =	ssyncset.s32 $0xFFFFF086  }
0x25: {  	[simem:s6], [sflag:s4] =	dma.local [hbm:s3], $0xF7A  }
0x26: {  	[smem:$0x3F9E] =	sst s1;
	(tag) =	ssettag s2;
	_ =	strace s9  }
0x27: {  	s1 =	sld [smem:$0x3FAE]  }
0x28: {  	s2 =	sld [smem:$0x3FAF]  }
0x29: {  	s4 =	sld [smem:$0x3FB1]  }
0x2a: {  	p0 =	seq.s32 s5, $0x0;
	s5 =	sld [smem:$0x3FB2]  }
0x2b: {  	s6 =	sld [smem:$0x3FB3]  }
0x2c: {  	s7 =	sld [smem:$0x3FB4]  }
0x2d: {  	s3 =	simm.s32 $0x108;
	s8 =	sld [smem:$0x3FB5]  }
0x2e: {  	s3 =	simm.s32 @!p0 $0x1082;
	s9 =	sld [smem:$0x3FB6]  }
0x2f: {  	lr =	sadd.s32 s0, s3;
	s0 =	sld [smem:$0x3FAD]  }
0x30: {  	s3 =	sld [smem:$0x3FB0]  }
0x31: {  	[smem:$0x3FB9] =	sst s10  }
0x32: {  	s10 =	sld [smem:$0x3FB7];
	_ =	sdelay $0x3  }
0x33: {  	p0 =	seq.s32 s10, $0x1;
	s10 =	sld [smem:$0x3FB9];
	_ =	sdelay $0x3  }
0x34: {  	[smem:$0x3FB9] =	sst s10  }
0x35: {  	s10 =	sld [smem:$0x3FB8];
	_ =	sdelay $0x3  }
0x36: {  	p1 =	seq.s32 s10, $0x1;
	s10 =	sld [smem:$0x3FB9];
	_ =	sdelay $0x3  }
0x37: {  	[smem:$0x3FB9] =	sst s10  }
0x38: {  	s10 =	sld [smem:$0x3FBA]  }
0x39: {  	_ = 	snop;
	(pc) =	sbr.ind lr, $3  }
0x3a: {  	_ = 	snop  }
0x3b: {  	_ = 	snop  }
0x3c: {  	p2 =	seq.s32 s10, $0x1;
	s10 =	sld [smem:$0x3FB9]  }
0x3d: {  	_ =	shalt  }
0x3e: {  	_ =	shalt  }
0x3f: {  	_ =	shalt  }
0x40: {  	_ =	shalt  }
0x41: {  	_ =	shalt  }
0x42: {  	_ =	shalt  }
0x43: {  	_ =	shalt  }
0x44: {  	_ =	shalt  }
0x45: {  	_ =	shalt  }
0x46: {  	_ =	shalt  }
0x47: {  	_ =	shalt  }
0x48: {  	_ =	shalt  }
0x49: {  	_ =	shalt  }
0x4a: {  	_ =	shalt  }
0x4b: {  	_ =	shalt  }
0x4c: {  	_ =	shalt  }
0x4d: {  	_ =	shalt  }
0x4e: {  	_ =	shalt  }
0x4f: {  	_ =	shalt  }
0x50: {  	_ =	shalt  }
0x51: {  	_ =	shalt  }
0x52: {  	_ =	shalt  }
0x53: {  	_ =	shalt  }
0x54: {  	_ =	shalt  }
0x55: {  	_ =	shalt  }
0x56: {  	_ =	shalt  }
0x57: {  	_ =	shalt  }
0x58: {  	_ =	shalt  }
0x59: {  	_ =	shalt  }
0x5a: {  	_ =	shalt  }
0x5b: {  	_ =	shalt  }
0x5c: {  	_ =	shalt  }
0x5d: {  	_ =	shalt  }
0x5e: {  	_ =	shalt  }
0x5f: {  	_ =	shalt  }
0x60: {  	_ =	shalt  }
0x61: {  	_ =	shalt  }
0x62: {  	_ =	shalt  }
0x63: {  	_ =	shalt  }
0x64: {  	_ =	shalt  }
0x65: {  	_ =	shalt  }
0x66: {  	_ =	shalt  }
0x67: {  	_ =	shalt  }
0x68: {  	_ =	shalt  }
0x69: {  	_ =	shalt  }
0x6a: {  	_ =	shalt  }
0x6b: {  	_ =	shalt  }
0x6c: {  	_ =	shalt  }
0x6d: {  	_ =	shalt  }
0x6e: {  	_ =	shalt  }
0x6f: {  	_ =	shalt  }
0x70: {  	_ =	shalt  }
0x71: {  	_ =	shalt  }
0x72: {  	_ =	shalt  }
0x73: {  	_ =	shalt  }
0x74: {  	_ =	shalt  }
0x75: {  	_ =	shalt  }
0x76: {  	_ =	shalt  }
0x77: {  	_ =	shalt  }
0x78: {  	_ =	shalt  }
0x79: {  	_ =	shalt  }
0x7a: {  	_ =	shalt  }
0x7b: {  	_ =	shalt  }
0x7c: {  	_ =	shalt  }
0x7d: {  	_ =	shalt  }
0x7e: {  	_ =	shalt  }
0x7f: {  	_ =	shalt  }
0x80: {  	_ =	shalt  }
0x81: {  	_ =	shalt  }
0x82: {  	_ =	shalt  }
0x83: {  	_ =	shalt  }
0x84: {  	_ =	shalt  }
0x85: {  	_ =	shalt  }
0x86: {  	_ =	shalt  }
0x87: {  	_ =	shalt  }
.Lfunc_end0:
.L_simem_size_0:
called_computation_lowered:
.L_overlay_start_0:
0x88: {  	s2 =	sld [smem:$0x3FD9]  }
0x89: {  	s3 =	sld [smem:$0x3FFE];
	_ =	sdelay $0x1  }
0x8a: {  	s1 =	srdreg.scid  }
0x8b: {  	s0 =	sand.u32 $0x1, s1  }
0x8c: {  	s14 =	sshll.u32 s0, $0xA;
	s2 =	sadd.s32 s3, s2  }
0x8d: {  	s2 =	sadd.s32 s2, s14  }
0x8e: {  	[smem:$0x3FC5] =	sst s2  }
0x8f: {  	_ = 	snop  }
0x90: {  	s2 =	sld [smem:$0x3FD0];
	_ =	sdelay $0x2  }
0x91: {  	s15 =	simm.s32 $0xA;
	s4 =	simm.s32 $0x10  }
0x92: {  	[smem:s4], [sflag:s15] =	dma.local [hbm:s2], $0x1  }
0x93: {  	_ =	swait.eq [sflag:s15], $0x1  }
0x94: {  	[sflag:s15] =	ssyncset.done $0x0  }
0x95: {  	[sflag:s15] =	ssyncadd.s32 $0xFFFFFFFF  }
0x96: {  	s16 =	sld [smem:$0x11];
	(tm) =	ssettm $0x1  }
0x97: {  	s17 =	sld [smem:$0x3FFB];
	_ =	sdelay $0x3  }
0x98: {  	_ =	strace s17  }
0x99: {  	s3 =	sld [smem:$0x3FFC];
	_ =	sdelay $0x3  }
0x9a: {  	_ =	strace s3  }
0x9b: {  	s3 =	sld [smem:$0x3FFD];
	_ =	sdelay $0x3  }
0x9c: {  	_ =	strace s3  }
0x9d: {  	_ =	strace $0x8FFFFFFF  }
0x9e: {  	s18 =	sld [smem:$0x3FDB];
	_ =	sdelay $0x1  }
0x9f: {  	s19 =	simm.s32 $_scs_section_size  }
0xa0: {  	s5 =	simm.s32 $_size__tile_overlayer_lowered;
	s6 =	simm.s32 $_tile_overlayer_lowered  }
0xa1: {  	s22 =	simm.s32 $0x1BFF;
	s21 =	sshll.u32 s6, $0x1;
	s3 =	sadd.s32 s19, s18  }
0xa2: {  	s7 =	simm.s32 $0x0;
	s20 =	sshll.u32 s5, $0x1;
	s5 =	sadd.s32 s21, s3  }
0xa3: {  	[timem:s7], [sflag:s22] =	dma.local [hbm:s5], s20  }
0xa4: {  	_ =	swait.ge [sflag:s22], s20  }
0xa5: {  	s4 =	ssub.s32 $0x0, s20;
	[sflag:s22] =	ssyncset.done $0x0  }
0xa6: {  	[sflag:s22] =	ssyncadd.s32 s4;
	_ =	sdelay $0x1  }
0xa7: {  	s23 =	simm.s32 $0x1B8B  }
0xa8: {  	_ =	swait.ge [sflag:s23], $0x1  }
0xa9: {  	[sflag:s23] =	ssyncset.done $0x0  }
0xaa: {  	s25 =	simm.s32 $0x1B8E;
	s24 =	sld [smem:$0x3FFE];
	[sflag:s23] =	ssyncadd.s32 $0xFFFFFFFF  }
0xab: {  	s26 =	simm.s32 $execute0_lowered;
	[smem:$0x3FD2] =	sst s25  }
0xac: {  	s5 =	sshll.u32 s26, $0x1;
	_ =	strace $0x80000046;
	[dreg:$0x1] =	wrdreg $0xFFFFFFFF  }
0xad: {  	s28 =	simm.s32 $_size_execute0_lowered;
	s3 =	sadd.s32 s3, s5;
	[dreg:$0x0] =	wrdreg $0x0  }
0xae: {  	s5 =	sshll.u32 s28, $0x1;
	[dreg:$0x2] =	wrdreg s3  }
0xaf: {  	[dreg:$0x3] =	wrdreg s5  }
0xb0: {  	[dreg:$0x4] =	wrdreg $0xC0  }
0xb1: {  	_ =	task [dreg:s7], $0x5FFFF  }
0xb2: {  	[dreg:$0x1] =	wrdreg $0xFFFFFFFF  }
0xb3: {  	[dreg:$0x0] =	wrdreg $0x60  }
0xb4: {  	[dreg:$0x2] =	wrdreg s24  }
0xb5: {  	[dreg:$0x3] =	wrdreg s16  }
0xb6: {  	[dreg:$0x4] =	wrdreg $0x9  }
0xb7: {  	_ =	task.clear_ibuf [dreg:s7], $0x5FFFF;
	_ =	strace $0x90000046  }
0xb8: {  	s29 =	simm.s32 $0x9;
	_ =	strace $0x80000048  }
0xb9: {  	_ =	swait.ge [sflag:s29], $0x1  }
0xba: {  	[sflag:s29] =	ssyncadd.s32 $0xFFFFFFFF  }
0xbb: {  	_ =	strace $0x90000048  }
0xbc: {  	_ =	sfence  }
0xbd: {  	s30 =	sld [smem:$0x0];
	_ =	sdelay $0x2  }
0xbe: {  	s31 =	sshll.u32 s1, $0xD;
	s1 =	sshrl.u32 s1, $0x2  }
0xbf: {  	s3 =	sand.u32 $0x4000, s31;
	s1 =	sadd.s32 s1, s30  }
0xc0: {  	s0 =	sor.u32 s3, s0;
	s1 =	sshll.u32 s1, $0x11  }
0xc1: {  	s0 =	sor.u32 s1, s0  }
0xc2: {  	s0 =	sadd.s32 $0x8F2B, s0  }
0xc3: {  	[sflag:s0] =	ssyncadd.remote.s32 $0x1  }
0xc4: {  	_ =	sfence.sel $0xFFFF  }
0xc5: {  	[dreg:$0x0] =	wrdreg $0xFFFFFFFF;
	(pc) =	sbr.abs _section_cstart, $3  }
0xc6: {  	[dreg:$0x1] =	wrdreg $0xFFFFFFFF  }
0xc7: {  	_ =	task.clear_ibuf [dreg:s7], $0x2FFFF;
	_ =	strace $0x9FFFFFFF  }
0xc8: {  	(tm) =	ssettm $0x7FFFFFFF  }
0xc9: {  	_ =	shalt  }
tec
execute0_lowered:
.L_overlay_start_1:
0x0: {  	(tag) =	ssettag $0x1  }
0x1: {  	s3 =	rddreg [dreg:$0x0]  }
0x2: {  	s4 =	rddreg [dreg:$0x1];
	s2 =	srdreg.scid  }
0x3: {  	s0 =	rddreg [dreg:$0x2];
	s1 =	stileid.u32;
	s10 =	simm.s32 $0x2000  }
0x4: {  	s11 =	simm.s32 $0x2400;
	s12 =	simm.s32 $0x2800;
	s13 =	simm.s32 $0x2C00  }
0x5: {  	s14 =	simm.s32 $0x0;
	s5 =	sand.u32 $0x1, s2;
	s2 =	simm.s32 $0x0  }
0x6: {  	s6 =	sshll.u32 s1, $0xB;
	s7 =	sshll.u32 s5, $0xA;
	[smem:$0x7FF] =	sst s2  }
0x7: {  	s5 =	ssub.s32 $0x2, s5;
	s6 =	sor.u32 s7, s6;
	_ =	strace $0x80000047  }
0x8: {  	s8 =	sshrl.u32 s5, $0x1;
	s7 =	sshrl.u32 s6, $0x3;
	s6 =	sadd.s32 s6, s3  }
0x9: {  	s8 =	ssub.s32 s5, s8;
	s9 =	sadd.s32 s7, s3;
	s3 =	sadd.s32 $0xC00, s6  }
0xa: {  	s4 =	sadd.s32 s4, s7;
	s8 =	smax.u32 s8, $0x1;
	s5 =	sadd.s32 $0x8C00, s9  }
0xb: {  	v0 =	vimm.s32 $0x0;
	s6 =	sadd.s32 $0x9C00, s9;
	s7 =	sadd.s32 $0xAC00, s9;
	s9 =	simm.s32 $0x1  }
.LBB2_1:
0xc: {  	[tilespmem:s2], [sflag:$0x1] =	stream.linear.gather [hbm4b:s3+s2], $0x2000, $0x38;
	[tilespmem:$0x3000] =	vst v63  }
0xd: {  	_ =	swait.ge [sflag:s9], $0x2000  }
0xe: {  	s16 =	sand.u32 $0x40, s2;
	s15 =	sand.u32 $0x1C00, s2;
	[sflag:s9] =	ssyncset.done $0x0  }
0xf: {  	s17 =	sor.u32 s16, s15;
	[sflag:s9] =	ssyncadd.s32 $0xFFFFE000  }
0x10: {  	v1 =	vld [tilespmem:s17+$0x80]  }
0x11: {  	v2 =	vld [tilespmem:s17+$0x0];
	_ =	sdelay $0x2  }
0x12: {  	v3 =	vld [tilespmem:s17+$0x100]  }
0x13: {  	vm1 =	vlt.f32 v1, $-Inf;
	vm2 =	vgt.f32 v1, $-Inf  }
0x14: {  	vm0 =	vgt.f32 v1, v2;
	vm1 =	vmor vm2, vm1  }
0x15: {  	v5 =	vld [tilespmem:s17+$0x180];
	vm2 =	vmneg vm0;
	v4 =	vnsel vm1, $0xFF800000, v1  }
0x16: {  	v4 =	vsel vm2, v4, v2  }
0x17: {  	v1 =	vsel vm2, v2, v1;
	vm4 =	vgt.f32 v3, v4  }
0x18: {  	v47 =	vld [tilespmem:s17+$0x200];
	vm3 =	vgt.f32 v3, v1;
	v2 =	vsel vm4, v3, v4  }
0x19: {  	v2 =	vsel vm3, v1, v2  }
0x1a: {  	v1 =	vsel vm3, v3, v1;
	vm6 =	vgt.f32 v5, v2  }
0x1b: {  	v3 =	vld [tilespmem:s17+$0x280];
	vm5 =	vgt.f32 v5, v1;
	v2 =	vsel vm6, v5, v2  }
0x1c: {  	v2 =	vsel vm5, v1, v2  }
0x1d: {  	v1 =	vsel vm5, v5, v1;
	vm8 =	vgt.f32 v47, v2  }
0x1e: {  	v48 =	vld [tilespmem:s17+$0x300];
	vm7 =	vgt.f32 v47, v1;
	v2 =	vsel vm8, v47, v2  }
0x1f: {  	v2 =	vsel vm7, v1, v2  }
0x20: {  	v1 =	vsel vm7, v47, v1;
	vm10 =	vgt.f32 v3, v2  }
0x21: {  	v49 =	vld [tilespmem:s17+$0x380];
	vm9 =	vgt.f32 v3, v1;
	v2 =	vsel vm10, v3, v2  }
0x22: {  	v2 =	vsel vm9, v1, v2  }
0x23: {  	v1 =	vsel vm9, v3, v1;
	vm13 =	vgt.f32 v48, v2  }
0x24: {  	vm11 =	vgt.f32 v48, v1;
	v2 =	vsel vm13, v48, v2  }
0x25: {  	v2 =	vsel vm11, v1, v2  }
0x26: {  	v1 =	vsel vm11, v48, v1;
	vm14 =	vgt.f32 v49, v2  }
0x27: {  	vm12 =	vgt.f32 v49, v1;
	v2 =	vsel vm14, v49, v2  }
0x28: {  	v2 =	vsel vm12, v1, v2;
	v1 =	vsel vm12, v49, v1  }
0x29: {  	v1 =	vsub.f32 v2, v1;
	_ =	sdelay $0x1  }
0x2a: {  	v1 =	vmul.f32 $1.442695020e+00, v1;
	_ =	sdelay $0x1  }
0x2b: {  	(erf) = vpow2.f32 v1;
	_ =	sdelay $0x8  }
0x2c: {  	v1 =	vpop (erf)  }
0x2d: {  	v1 =	vadd.f32 $1.000000000e+00, v1;
	_ =	sdelay $0x1  }
0x2e: {  	vm1 =	vmand vm2, vm1;
	(erf) = vrcp.f32 v1  }
0x2f: {  	v1 =	vsel vm1, $0x1, v0  }
0x30: {  	v2 =	vsel vm0, $0x1, v0;
	v1 =	vsel vm4, $0x2, v1  }
0x31: {  	v1 =	vsel vm3, v2, v1  }
0x32: {  	v2 =	vsel vm3, $0x2, v2;
	v1 =	vsel vm6, $0x3, v1  }
0x33: {  	v1 =	vsel vm5, v2, v1  }
0x34: {  	v2 =	vsel vm5, $0x3, v2;
	v1 =	vsel vm8, $0x4, v1  }
0x35: {  	v1 =	vsel vm7, v2, v1  }
0x36: {  	v2 =	vsel vm7, $0x4, v2;
	v1 =	vsel vm10, $0x5, v1  }
0x37: {  	v1 =	vsel vm9, v2, v1;
	v3 =	vpop (erf)  }
0x38: {  	v2 =	vsel vm9, $0x5, v2;
	v1 =	vsel vm13, $0x6, v1;
	v50 =	vsub.f32 $1.000000000e+00, v3  }
0x39: {  	v1 =	vsel vm11, v2, v1;
	v2 =	vsel vm11, $0x6, v2;
	[tilespmem:s10+$0x0] =	vst v3  }
0x3a: {  	v1 =	vsel vm14, $0x7, v1;
	v3 =	vsel vm12, $0x7, v2;
	[tilespmem:s11+$0x0] =	vst v50  }
0x3b: {  	s18 =	sor.u32 $0x10, s16;
	v1 =	vsel vm12, v2, v1;
	[tilespmem:s12+$0x0] =	vst v3  }
0x3c: {  	s28 =	sor.u32 s18, s15;
	[tilespmem:s13+$0x0] =	vst v1  }
0x3d: {  	v1 =	vld [tilespmem:s28+$0x80]  }
0x3e: {  	v2 =	vld [tilespmem:s28+$0x0];
	_ =	sdelay $0x2  }
0x3f: {  	v3 =	vld [tilespmem:s28+$0x100]  }
0x40: {  	vm13 =	vlt.f32 v1, $-Inf;
	vm14 =	vgt.f32 v1, $-Inf  }
0x41: {  	vm0 =	vgt.f32 v1, v2;
	vm1 =	vmor vm14, vm13  }
0x42: {  	v52 =	vld [tilespmem:s28+$0x180];
	vm3 =	vmneg vm0;
	v51 =	vnsel vm1, $0xFF800000, v1  }
0x43: {  	v4 =	vsel vm3, v51, v2  }
0x44: {  	v1 =	vsel vm3, v2, v1;
	vm5 =	vgt.f32 v3, v4  }
0x45: {  	v53 =	vld [tilespmem:s28+$0x200];
	vm2 =	vgt.f32 v3, v1;
	v2 =	vsel vm5, v3, v4  }
0x46: {  	v2 =	vsel vm2, v1, v2  }
0x47: {  	v1 =	vsel vm2, v3, v1;
	vm6 =	vgt.f32 v52, v2  }
0x48: {  	v3 =	vld [tilespmem:s28+$0x280];
	vm4 =	vgt.f32 v52, v1;
	v2 =	vsel vm6, v52, v2  }
0x49: {  	v2 =	vsel vm4, v1, v2  }
0x4a: {  	v1 =	vsel vm4, v52, v1;
	vm8 =	vgt.f32 v53, v2  }
0x4b: {  	v54 =	vld [tilespmem:s28+$0x300];
	vm7 =	vgt.f32 v53, v1;
	v2 =	vsel vm8, v53, v2  }
0x4c: {  	v2 =	vsel vm7, v1, v2  }
0x4d: {  	v1 =	vsel vm7, v53, v1;
	vm10 =	vgt.f32 v3, v2  }
0x4e: {  	v55 =	vld [tilespmem:s28+$0x380];
	vm9 =	vgt.f32 v3, v1;
	v2 =	vsel vm10, v3, v2  }
0x4f: {  	v2 =	vsel vm9, v1, v2  }
0x50: {  	v1 =	vsel vm9, v3, v1;
	vm12 =	vgt.f32 v54, v2  }
0x51: {  	vm13 =	vgt.f32 v54, v1;
	v2 =	vsel vm12, v54, v2  }
0x52: {  	v2 =	vsel vm13, v1, v2  }
0x53: {  	v1 =	vsel vm13, v54, v1;
	vm14 =	vgt.f32 v55, v2  }
0x54: {  	vm15 =	vgt.f32 v55, v1;
	v2 =	vsel vm14, v55, v2  }
0x55: {  	v2 =	vsel vm15, v1, v2;
	v1 =	vsel vm15, v55, v1  }
0x56: {  	v1 =	vsub.f32 v2, v1;
	_ =	sdelay $0x1  }
0x57: {  	v1 =	vmul.f32 $1.442695020e+00, v1;
	_ =	sdelay $0x1  }
0x58: {  	(erf) = vpow2.f32 v1;
	_ =	sdelay $0x4  }
0x59: {  	vm1 =	vmand vm3, vm1  }
0x5a: {  	v1 =	vsel vm1, $0x1, v0  }
0x5b: {  	v2 =	vsel vm0, $0x1, v0;
	v1 =	vsel vm5, $0x2, v1  }
0x5c: {  	v1 =	vsel vm2, v2, v1  }
0x5d: {  	v2 =	vsel vm2, $0x2, v2;
	v1 =	vsel vm6, $0x3, v1;
	v3 =	vpop (erf)  }
0x5e: {  	v1 =	vsel vm4, v2, v1;
	v3 =	vadd.f32 $1.000000000e+00, v3  }
0x5f: {  	v2 =	vsel vm4, $0x3, v2;
	v1 =	vsel vm8, $0x4, v1  }
0x60: {  	v1 =	vsel vm7, v2, v1;
	(erf) = vrcp.f32 v3  }
0x61: {  	v2 =	vsel vm7, $0x4, v2;
	v1 =	vsel vm10, $0x5, v1  }
0x62: {  	v1 =	vsel vm9, v2, v1  }
0x63: {  	v2 =	vsel vm9, $0x5, v2;
	v1 =	vsel vm12, $0x6, v1  }
0x64: {  	v1 =	vsel vm13, v2, v1  }
0x65: {  	v2 =	vsel vm13, $0x6, v2;
	v1 =	vsel vm14, $0x7, v1  }
0x66: {  	v1 =	vsel vm15, v2, v1  }
0x67: {  	s29 =	sand.u32 $0x380, s2  }
0x68: {  	s19 =	sor.u32 s29, s18  }
0x69: {  	[tilespmem:s19+$0x2C00] =	vst v1;
	v1 =	vpop (erf)  }
0x6a: {  	v2 =	vsel vm15, $0x7, v2;
	[tilespmem:s19+$0x2000] =	vst v1;
	v1 =	vsub.f32 $1.000000000e+00, v1  }
0x6b: {  	s30 =	sor.u32 $0x20, s16;
	[tilespmem:s19+$0x2800] =	vst v2  }
0x6c: {  	s31 =	sor.u32 s30, s15;
	[tilespmem:s19+$0x2400] =	vst v1  }
0x6d: {  	v1 =	vld [tilespmem:s31+$0x80]  }
0x6e: {  	v2 =	vld [tilespmem:s31+$0x0];
	_ =	sdelay $0x2  }
0x6f: {  	v3 =	vld [tilespmem:s31+$0x100]  }
0x70: {  	vm12 =	vlt.f32 v1, $-Inf;
	vm13 =	vgt.f32 v1, $-Inf  }
0x71: {  	vm0 =	vgt.f32 v1, v2;
	vm1 =	vmor vm13, vm12  }
0x72: {  	v57 =	vld [tilespmem:s31+$0x180];
	vm3 =	vmneg vm0;
	v56 =	vnsel vm1, $0xFF800000, v1  }
0x73: {  	v4 =	vsel vm3, v56, v2  }
0x74: {  	v1 =	vsel vm3, v2, v1;
	vm5 =	vgt.f32 v3, v4  }
0x75: {  	v58 =	vld [tilespmem:s31+$0x200];
	vm2 =	vgt.f32 v3, v1;
	v2 =	vsel vm5, v3, v4  }
0x76: {  	v2 =	vsel vm2, v1, v2  }
0x77: {  	v1 =	vsel vm2, v3, v1;
	vm6 =	vgt.f32 v57, v2  }
0x78: {  	v3 =	vld [tilespmem:s31+$0x280];
	vm4 =	vgt.f32 v57, v1;
	v2 =	vsel vm6, v57, v2  }
0x79: {  	v2 =	vsel vm4, v1, v2  }
0x7a: {  	v1 =	vsel vm4, v57, v1;
	vm8 =	vgt.f32 v58, v2  }
0x7b: {  	v59 =	vld [tilespmem:s31+$0x300];
	vm7 =	vgt.f32 v58, v1;
	v2 =	vsel vm8, v58, v2  }
0x7c: {  	v2 =	vsel vm7, v1, v2  }
0x7d: {  	v1 =	vsel vm7, v58, v1;
	vm10 =	vgt.f32 v3, v2  }
0x7e: {  	v60 =	vld [tilespmem:s31+$0x380];
	vm9 =	vgt.f32 v3, v1;
	v2 =	vsel vm10, v3, v2  }
0x7f: {  	v2 =	vsel vm9, v1, v2  }
0x80: {  	v1 =	vsel vm9, v3, v1;
	vm11 =	vgt.f32 v59, v2  }
0x81: {  	vm12 =	vgt.f32 v59, v1;
	v2 =	vsel vm11, v59, v2  }
0x82: {  	v2 =	vsel vm12, v1, v2  }
0x83: {  	v1 =	vsel vm12, v59, v1;
	vm13 =	vgt.f32 v60, v2  }
0x84: {  	vm14 =	vgt.f32 v60, v1;
	v2 =	vsel vm13, v60, v2  }
0x85: {  	v2 =	vsel vm14, v1, v2;
	v1 =	vsel vm14, v60, v1  }
0x86: {  	v1 =	vsub.f32 v2, v1;
	_ =	sdelay $0x1  }
0x87: {  	v1 =	vmul.f32 $1.442695020e+00, v1;
	_ =	sdelay $0x1  }
0x88: {  	(erf) = vpow2.f32 v1;
	_ =	sdelay $0x4  }
0x89: {  	vm1 =	vmand vm3, vm1  }
0x8a: {  	v1 =	vsel vm1, $0x1, v0  }
0x8b: {  	v2 =	vsel vm0, $0x1, v0;
	v1 =	vsel vm5, $0x2, v1  }
0x8c: {  	v1 =	vsel vm2, v2, v1  }
0x8d: {  	v2 =	vsel vm2, $0x2, v2;
	v1 =	vsel vm6, $0x3, v1;
	v3 =	vpop (erf)  }
0x8e: {  	v1 =	vsel vm4, v2, v1;
	v3 =	vadd.f32 $1.000000000e+00, v3  }
0x8f: {  	v2 =	vsel vm4, $0x3, v2;
	v1 =	vsel vm8, $0x4, v1  }
0x90: {  	v1 =	vsel vm7, v2, v1;
	(erf) = vrcp.f32 v3  }
0x91: {  	v2 =	vsel vm7, $0x4, v2;
	v1 =	vsel vm10, $0x5, v1  }
0x92: {  	v1 =	vsel vm9, v2, v1  }
0x93: {  	v2 =	vsel vm9, $0x5, v2;
	v1 =	vsel vm11, $0x6, v1  }
0x94: {  	v1 =	vsel vm12, v2, v1  }
0x95: {  	v2 =	vsel vm12, $0x6, v2;
	v1 =	vsel vm13, $0x7, v1  }
0x96: {  	v1 =	vsel vm14, v2, v1;
	_ =	sdelay $0x1  }
0x97: {  	s18 =	sor.u32 s29, s30  }
0x98: {  	v2 =	vsel vm14, $0x7, v2;
	[tilespmem:s18+$0x2C00] =	vst v1;
	v1 =	vpop (erf)  }
0x99: {  	[tilespmem:s18+$0x2800] =	vst v2;
	v2 =	vsub.f32 $1.000000000e+00, v1  }
0x9a: {  	s16 =	sor.u32 $0x30, s16;
	[tilespmem:s18+$0x2000] =	vst v1  }
0x9b: {  	s15 =	sor.u32 s16, s15;
	[tilespmem:s18+$0x2400] =	vst v2  }
0x9c: {  	v1 =	vld [tilespmem:s15+$0x80]  }
0x9d: {  	v2 =	vld [tilespmem:s15+$0x0];
	_ =	sdelay $0x2  }
0x9e: {  	v3 =	vld [tilespmem:s15+$0x100]  }
0x9f: {  	vm14 =	vlt.f32 v1, $-Inf;
	vm15 =	vgt.f32 v1, $-Inf  }
0xa0: {  	vm0 =	vgt.f32 v1, v2;
	vm1 =	vmor vm15, vm14  }
0xa1: {  	v61 =	vld [tilespmem:s15+$0x180];
	vm2 =	vmneg vm0;
	v62 =	vnsel vm1, $0xFF800000, v1  }
0xa2: {  	v5 =	vsel vm2, v62, v2  }
0xa3: {  	v1 =	vsel vm2, v2, v1;
	vm4 =	vgt.f32 v3, v5  }
0xa4: {  	v2 =	vld [tilespmem:s15+$0x200];
	vm3 =	vgt.f32 v3, v1;
	v5 =	vsel vm4, v3, v5  }
0xa5: {  	v5 =	vsel vm3, v1, v5  }
0xa6: {  	v1 =	vsel vm3, v3, v1;
	vm6 =	vgt.f32 v61, v5  }
0xa7: {  	v3 =	vld [tilespmem:s15+$0x280];
	vm5 =	vgt.f32 v61, v1;
	v5 =	vsel vm6, v61, v5  }
0xa8: {  	v5 =	vsel vm5, v1, v5  }
0xa9: {  	v1 =	vsel vm5, v61, v1;
	vm8 =	vgt.f32 v2, v5  }
0xaa: {  	v63 =	vld [tilespmem:s15+$0x300];
	vm7 =	vgt.f32 v2, v1;
	v5 =	vsel vm8, v2, v5  }
0xab: {  	v5 =	vsel vm7, v1, v5  }
0xac: {  	v1 =	vsel vm7, v2, v1;
	vm9 =	vgt.f32 v3, v5  }
0xad: {  	v2 =	vld [tilespmem:s15+$0x380];
	vm10 =	vgt.f32 v3, v1;
	v5 =	vsel vm9, v3, v5  }
0xae: {  	v5 =	vsel vm10, v1, v5  }
0xaf: {  	v1 =	vsel vm10, v3, v1;
	vm11 =	vgt.f32 v63, v5  }
0xb0: {  	vm12 =	vgt.f32 v63, v1;
	v3 =	vsel vm11, v63, v5  }
0xb1: {  	v3 =	vsel vm12, v1, v3  }
0xb2: {  	v1 =	vsel vm12, v63, v1;
	vm13 =	vgt.f32 v2, v3  }
0xb3: {  	vm14 =	vgt.f32 v2, v1;
	v3 =	vsel vm13, v2, v3  }
0xb4: {  	v3 =	vsel vm14, v1, v3;
	v1 =	vsel vm14, v2, v1  }
0xb5: {  	v1 =	vsub.f32 v3, v1;
	_ =	sdelay $0x1  }
0xb6: {  	v1 =	vmul.f32 $1.442695020e+00, v1;
	_ =	sdelay $0x1  }
0xb7: {  	(erf) = vpow2.f32 v1;
	_ =	sdelay $0x4  }
0xb8: {  	vm1 =	vmand vm2, vm1  }
0xb9: {  	v1 =	vsel vm1, $0x1, v0  }
0xba: {  	v2 =	vsel vm0, $0x1, v0;
	v1 =	vsel vm4, $0x2, v1  }
0xbb: {  	v1 =	vsel vm3, v2, v1  }
0xbc: {  	v2 =	vsel vm3, $0x2, v2;
	v1 =	vsel vm6, $0x3, v1;
	v3 =	vpop (erf)  }
0xbd: {  	v1 =	vsel vm5, v2, v1;
	v3 =	vadd.f32 $1.000000000e+00, v3  }
0xbe: {  	v2 =	vsel vm5, $0x3, v2;
	v1 =	vsel vm8, $0x4, v1  }
0xbf: {  	v1 =	vsel vm7, v2, v1;
	(erf) = vrcp.f32 v3  }
0xc0: {  	v2 =	vsel vm7, $0x4, v2;
	v1 =	vsel vm9, $0x5, v1  }
0xc1: {  	v1 =	vsel vm10, v2, v1  }
0xc2: {  	v2 =	vsel vm10, $0x5, v2;
	v1 =	vsel vm11, $0x6, v1  }
0xc3: {  	v1 =	vsel vm12, v2, v1  }
0xc4: {  	v2 =	vsel vm12, $0x6, v2;
	v1 =	vsel vm13, $0x7, v1  }
0xc5: {  	v1 =	vsel vm14, v2, v1;
	_ =	sdelay $0x1  }
0xc6: {  	s24 =	sor.u32 s29, s16  }
0xc7: {  	s22 =	simm.s32 $0x4;
	s23 =	simm.s32 $0x200;
	s20 =	simm.s32 $0x2440;
	[tilespmem:s24+$0x2C00] =	vst v1;
	v1 =	vpop (erf)  }
0xc8: {  	s21 =	simm.s32 $0x2000;
	s16 =	sand.u32 $0x1C00, s23;
	s15 =	simm.s32 $0x40;
	v2 =	vsel vm14, $0x7, v2;
	[tilespmem:s24+$0x2000] =	vst v1;
	v1 =	vsub.f32 $1.000000000e+00, v1  }
0xc9: {  	s19 =	simm.s32 $0x2840;
	s18 =	simm.s32 $0x2C40;
	s17 =	sand.u32 $0x40, s15;
	[tilespmem:s24+$0x2800] =	vst v2  }
.LBB2_2:
0xca: {  	s22 =	sadd.s32 $0x4, s22;
	s25 =	sor.u32 s17, s16;
	[tilespmem:s24+$0x2400] =	vst v1;
	s21 =	sadd.s32 $0x40, s21  }
0xcb: {  	p0 =	slt.u32 s22, $0x3C;
	v1 =	vld [tilespmem:s25+$0x80]  }
0xcc: {  	v2 =	vld [tilespmem:s25+$0x0];
	_ =	sdelay $0x2  }
0xcd: {  	v3 =	vld [tilespmem:s25+$0x100]  }
0xce: {  	vm0 =	vlt.f32 v1, $-Inf;
	vm1 =	vgt.f32 v1, $-Inf  }
0xcf: {  	vm2 =	vgt.f32 v1, v2;
	vm0 =	vmor vm1, vm0  }
0xd0: {  	vm1 =	vmneg vm2;
	v4 =	vnsel vm0, $0xFF800000, v1;
	v5 =	vld [tilespmem:s25+$0x180]  }
0xd1: {  	v4 =	vsel vm1, v4, v2;
	vm0 =	vmand vm1, vm0;
	v1 =	vsel vm1, v2, v1  }
0xd2: {  	v6 =	vsel vm2, $0x1, v0;
	v2 =	vsel vm0, $0x1, v0;
	vm0 =	vgt.f32 v3, v4  }
0xd3: {  	vm1 =	vgt.f32 v3, v1;
	v4 =	vsel vm0, v3, v4;
	v2 =	vsel vm0, $0x2, v2;
	v7 =	vld [tilespmem:s25+$0x200]  }
0xd4: {  	v4 =	vsel vm1, v1, v4;
	v2 =	vsel vm1, v6, v2;
	v1 =	vsel vm1, v3, v1  }
0xd5: {  	v3 =	vsel vm1, $0x2, v6;
	vm0 =	vgt.f32 v5, v4  }
0xd6: {  	vm1 =	vgt.f32 v5, v1;
	v4 =	vsel vm0, v5, v4;
	v2 =	vsel vm0, $0x3, v2;
	v6 =	vld [tilespmem:s25+$0x280]  }
0xd7: {  	v4 =	vsel vm1, v1, v4;
	v2 =	vsel vm1, v3, v2;
	v1 =	vsel vm1, v5, v1  }
0xd8: {  	v3 =	vsel vm1, $0x3, v3;
	vm0 =	vgt.f32 v7, v4  }
0xd9: {  	vm1 =	vgt.f32 v7, v1;
	v4 =	vsel vm0, v7, v4;
	v2 =	vsel vm0, $0x4, v2;
	v5 =	vld [tilespmem:s25+$0x300]  }
0xda: {  	v4 =	vsel vm1, v1, v4;
	v2 =	vsel vm1, v3, v2;
	v1 =	vsel vm1, v7, v1  }
0xdb: {  	v3 =	vsel vm1, $0x4, v3;
	vm0 =	vgt.f32 v6, v4  }
0xdc: {  	vm1 =	vgt.f32 v6, v1;
	v4 =	vsel vm0, v6, v4;
	v2 =	vsel vm0, $0x5, v2;
	v7 =	vld [tilespmem:s25+$0x380]  }
0xdd: {  	v4 =	vsel vm1, v1, v4;
	v2 =	vsel vm1, v3, v2  }
0xde: {  	v1 =	vsel vm1, v6, v1;
	v3 =	vsel vm1, $0x5, v3;
	vm0 =	vgt.f32 v5, v4  }
0xdf: {  	vm1 =	vgt.f32 v5, v1;
	v4 =	vsel vm0, v5, v4;
	v2 =	vsel vm0, $0x6, v2  }
0xe0: {  	v4 =	vsel vm1, v1, v4;
	v2 =	vsel vm1, v3, v2  }
0xe1: {  	v1 =	vsel vm1, v5, v1;
	v3 =	vsel vm1, $0x6, v3;
	vm1 =	vgt.f32 v7, v4  }
0xe2: {  	vm0 =	vgt.f32 v7, v1;
	v4 =	vsel vm1, v7, v4;
	v2 =	vsel vm1, $0x7, v2  }
0xe3: {  	v4 =	vsel vm0, v1, v4;
	v2 =	vsel vm0, v3, v2;
	v1 =	vsel vm0, v7, v1  }
0xe4: {  	v1 =	vsub.f32 v4, v1;
	_ =	sdelay $0x1  }
0xe5: {  	v1 =	vmul.f32 $1.442695020e+00, v1;
	_ =	sdelay $0x1  }
0xe6: {  	(erf) = vpow2.f32 v1;
	_ =	sdelay $0x8  }
0xe7: {  	v1 =	vpop (erf)  }
0xe8: {  	v1 =	vadd.f32 $1.000000000e+00, v1;
	_ =	sdelay $0x1  }
0xe9: {  	(erf) = vrcp.f32 v1;
	_ =	sdelay $0x8  }
0xea: {  	v1 =	vpop (erf)  }
0xeb: {  	v4 =	vsub.f32 $1.000000000e+00, v1  }
0xec: {  	[tilespmem:s21+$0x0] =	vst v1  }
0xed: {  	v1 =	vsel vm0, $0x7, v3;
	[tilespmem:s20+$0x0] =	vst v4  }
0xee: {  	s25 =	sor.u32 $0x10, s17;
	[tilespmem:s19+$0x0] =	vst v1  }
0xef: {  	s24 =	sor.u32 s25, s16;
	[tilespmem:s18+$0x0] =	vst v2  }
0xf0: {  	v1 =	vld [tilespmem:s24+$0x80]  }
0xf1: {  	v2 =	vld [tilespmem:s24+$0x0];
	_ =	sdelay $0x2  }
0xf2: {  	v3 =	vld [tilespmem:s24+$0x100]  }
0xf3: {  	vm0 =	vlt.f32 v1, $-Inf;
	vm1 =	vgt.f32 v1, $-Inf  }
0xf4: {  	vm2 =	vgt.f32 v1, v2;
	vm0 =	vmor vm1, vm0  }
0xf5: {  	vm1 =	vmneg vm2;
	v4 =	vnsel vm0, $0xFF800000, v1;
	v5 =	vsel vm2, $0x1, v0;
	v6 =	vld [tilespmem:s24+$0x180]  }
0xf6: {  	v4 =	vsel vm1, v4, v2;
	vm0 =	vmand vm1, vm0;
	v1 =	vsel vm1, v2, v1  }
0xf7: {  	v2 =	vsel vm0, $0x1, v0;
	vm0 =	vgt.f32 v3, v4  }
0xf8: {  	vm1 =	vgt.f32 v3, v1;
	v4 =	vsel vm0, v3, v4;
	v2 =	vsel vm0, $0x2, v2;
	v7 =	vld [tilespmem:s24+$0x200]  }
0xf9: {  	v4 =	vsel vm1, v1, v4;
	v2 =	vsel vm1, v5, v2;
	v1 =	vsel vm1, v3, v1  }
0xfa: {  	v3 =	vsel vm1, $0x2, v5;
	vm0 =	vgt.f32 v6, v4  }
0xfb: {  	vm1 =	vgt.f32 v6, v1;
	v4 =	vsel vm0, v6, v4;
	v2 =	vsel vm0, $0x3, v2;
	v5 =	vld [tilespmem:s24+$0x280]  }
0xfc: {  	v4 =	vsel vm1, v1, v4;
	v2 =	vsel vm1, v3, v2;
	v1 =	vsel vm1, v6, v1  }
0xfd: {  	v3 =	vsel vm1, $0x3, v3;
	vm0 =	vgt.f32 v7, v4  }
0xfe: {  	vm1 =	vgt.f32 v7, v1;
	v4 =	vsel vm0, v7, v4;
	v2 =	vsel vm0, $0x4, v2;
	v6 =	vld [tilespmem:s24+$0x300]  }
0xff: {  	v4 =	vsel vm1, v1, v4;
	v1 =	vsel vm1, v7, v1;
	v7 =	vsel vm1, $0x4, v3  }
0x100: {  	v2 =	vsel vm1, v3, v2;
	vm0 =	vgt.f32 v5, v4  }
0x101: {  	vm1 =	vgt.f32 v5, v1;
	v3 =	vsel vm0, v5, v4;
	v2 =	vsel vm0, $0x5, v2;
	v4 =	vld [tilespmem:s24+$0x380]  }
0x102: {  	v3 =	vsel vm1, v1, v3;
	v2 =	vsel vm1, v7, v2;
	v7 =	vsel vm1, $0x5, v7  }
0x103: {  	v1 =	vsel vm1, v5, v1;
	vm0 =	vgt.f32 v6, v3  }
0x104: {  	vm1 =	vgt.f32 v6, v1;
	v3 =	vsel vm0, v6, v3;
	v2 =	vsel vm0, $0x6, v2  }
0x105: {  	v3 =	vsel vm1, v1, v3;
	v2 =	vsel vm1, v7, v2  }
0x106: {  	v5 =	vsel vm1, $0x6, v7;
	v1 =	vsel vm1, v6, v1;
	vm1 =	vgt.f32 v4, v3  }
0x107: {  	s24 =	sand.u32 $0x380, s15;
	vm0 =	vgt.f32 v4, v1;
	v3 =	vsel vm1, v4, v3;
	v2 =	vsel vm1, $0x7, v2  }
0x108: {  	s26 =	sor.u32 s24, s25;
	v3 =	vsel vm0, v1, v3;
	v2 =	vsel vm0, v5, v2;
	v1 =	vsel vm0, v4, v1  }
0x109: {  	v1 =	vsub.f32 v3, v1;
	[tilespmem:s26+$0x2C00] =	vst v2;
	_ =	sdelay $0x1  }
0x10a: {  	v1 =	vmul.f32 $1.442695020e+00, v1;
	_ =	sdelay $0x1  }
0x10b: {  	(erf) = vpow2.f32 v1;
	_ =	sdelay $0x8  }
0x10c: {  	v1 =	vpop (erf)  }
0x10d: {  	v1 =	vadd.f32 $1.000000000e+00, v1;
	_ =	sdelay $0x1  }
0x10e: {  	(erf) = vrcp.f32 v1;
	_ =	sdelay $0x8  }
0x10f: {  	v1 =	vpop (erf)  }
0x110: {  	v2 =	vsel vm0, $0x7, v5;
	[tilespmem:s26+$0x2000] =	vst v1;
	v1 =	vsub.f32 $1.000000000e+00, v1  }
0x111: {  	s25 =	sor.u32 $0x20, s17;
	[tilespmem:s26+$0x2800] =	vst v2  }
0x112: {  	[tilespmem:s26+$0x2400] =	vst v1;
	s26 =	sor.u32 s25, s16  }
0x113: {  	v1 =	vld [tilespmem:s26+$0x80]  }
0x114: {  	v2 =	vld [tilespmem:s26+$0x0];
	_ =	sdelay $0x2  }
0x115: {  	v3 =	vld [tilespmem:s26+$0x100]  }
0x116: {  	vm0 =	vlt.f32 v1, $-Inf;
	vm1 =	vgt.f32 v1, $-Inf  }
0x117: {  	vm2 =	vgt.f32 v1, v2;
	vm0 =	vmor vm1, vm0  }
0x118: {  	vm1 =	vmneg vm2;
	v4 =	vnsel vm0, $0xFF800000, v1;
	v5 =	vsel vm2, $0x1, v0;
	v6 =	vld [tilespmem:s26+$0x180]  }
0x119: {  	v4 =	vsel vm1, v4, v2;
	vm0 =	vmand vm1, vm0;
	v1 =	vsel vm1, v2, v1  }
0x11a: {  	v2 =	vsel vm0, $0x1, v0;
	vm0 =	vgt.f32 v3, v4  }
0x11b: {  	vm1 =	vgt.f32 v3, v1;
	v4 =	vsel vm0, v3, v4;
	v2 =	vsel vm0, $0x2, v2;
	v7 =	vld [tilespmem:s26+$0x200]  }
0x11c: {  	v4 =	vsel vm1, v1, v4;
	v2 =	vsel vm1, v5, v2;
	v1 =	vsel vm1, v3, v1  }
0x11d: {  	v3 =	vsel vm1, $0x2, v5;
	vm0 =	vgt.f32 v6, v4  }
0x11e: {  	vm1 =	vgt.f32 v6, v1;
	v4 =	vsel vm0, v6, v4;
	v2 =	vsel vm0, $0x3, v2;
	v5 =	vld [tilespmem:s26+$0x280]  }
0x11f: {  	v4 =	vsel vm1, v1, v4;
	v2 =	vsel vm1, v3, v2;
	v1 =	vsel vm1, v6, v1  }
0x120: {  	vm0 =	vgt.f32 v7, v4  }
0x121: {  	vm2 =	vgt.f32 v7, v1;
	v4 =	vsel vm0, v7, v4;
	v2 =	vsel vm0, $0x4, v2;
	v6 =	vld [tilespmem:s26+$0x300]  }
0x122: {  	v3 =	vsel vm1, $0x3, v3;
	v4 =	vsel vm2, v1, v4;
	v1 =	vsel vm2, v7, v1  }
0x123: {  	v2 =	vsel vm2, v3, v2;
	v3 =	vsel vm2, $0x4, v3;
	vm0 =	vgt.f32 v5, v4  }
0x124: {  	vm1 =	vgt.f32 v5, v1;
	v4 =	vsel vm0, v5, v4;
	v2 =	vsel vm0, $0x5, v2;
	v7 =	vld [tilespmem:s26+$0x380]  }
0x125: {  	v4 =	vsel vm1, v1, v4;
	v2 =	vsel vm1, v3, v2;
	v1 =	vsel vm1, v5, v1  }
0x126: {  	v3 =	vsel vm1, $0x5, v3;
	vm0 =	vgt.f32 v6, v4  }
0x127: {  	vm1 =	vgt.f32 v6, v1;
	v4 =	vsel vm0, v6, v4;
	v2 =	vsel vm0, $0x6, v2  }
0x128: {  	v4 =	vsel vm1, v1, v4;
	v2 =	vsel vm1, v3, v2;
	v1 =	vsel vm1, v6, v1  }
0x129: {  	v3 =	vsel vm1, $0x6, v3;
	vm0 =	vgt.f32 v7, v4  }
0x12a: {  	vm1 =	vgt.f32 v7, v1;
	v4 =	vsel vm0, v7, v4;
	v2 =	vsel vm0, $0x7, v2  }
0x12b: {  	s25 =	sor.u32 s24, s25;
	v4 =	vsel vm1, v1, v4;
	v2 =	vsel vm1, v3, v2;
	v1 =	vsel vm1, v7, v1  }
0x12c: {  	v3 =	vsel vm1, $0x7, v3;
	v1 =	vsub.f32 v4, v1;
	[tilespmem:s25+$0x2C00] =	vst v2  }
0x12d: {  	[tilespmem:s25+$0x2800] =	vst v3  }
0x12e: {  	v1 =	vmul.f32 $1.442695020e+00, v1;
	_ =	sdelay $0x1  }
0x12f: {  	(erf) = vpow2.f32 v1;
	_ =	sdelay $0x8  }
0x130: {  	v1 =	vpop (erf)  }
0x131: {  	v1 =	vadd.f32 $1.000000000e+00, v1;
	_ =	sdelay $0x1  }
0x132: {  	(erf) = vrcp.f32 v1;
	_ =	sdelay $0x8  }
0x133: {  	v1 =	vpop (erf)  }
0x134: {  	[tilespmem:s25+$0x2000] =	vst v1;
	v1 =	vsub.f32 $1.000000000e+00, v1  }
0x135: {  	s17 =	sor.u32 $0x30, s17  }
0x136: {  	s16 =	sor.u32 s17, s16;
	[tilespmem:s25+$0x2400] =	vst v1  }
0x137: {  	v1 =	vld [tilespmem:s16+$0x80]  }
0x138: {  	v2 =	vld [tilespmem:s16+$0x0]  }
0x139: {  	v3 =	vld [tilespmem:s16+$0x100]  }
0x13a: {  	v4 =	vld [tilespmem:s16+$0x180]  }
0x13b: {  	v5 =	vld [tilespmem:s16+$0x200]  }
0x13c: {  	vm0 =	vlt.f32 v1, $-Inf;
	vm1 =	vgt.f32 v1, $-Inf;
	v6 =	vld [tilespmem:s16+$0x280]  }
0x13d: {  	vm2 =	vgt.f32 v1, v2;
	vm0 =	vmor vm1, vm0;
	v7 =	vld [tilespmem:s16+$0x300]  }
0x13e: {  	vm1 =	vmneg vm2;
	v8 =	vnsel vm0, $0xFF800000, v1;
	v9 =	vld [tilespmem:s16+$0x380]  }
0x13f: {  	v8 =	vsel vm1, v8, v2;
	vm0 =	vmand vm1, vm0;
	v1 =	vsel vm1, v2, v1  }
0x140: {  	v10 =	vsel vm2, $0x1, v0;
	v2 =	vsel vm0, $0x1, v0;
	vm0 =	vgt.f32 v3, v8  }
0x141: {  	vm1 =	vgt.f32 v3, v1;
	v8 =	vsel vm0, v3, v8;
	v2 =	vsel vm0, $0x2, v2  }
0x142: {  	v8 =	vsel vm1, v1, v8;
	v2 =	vsel vm1, v10, v2;
	v1 =	vsel vm1, v3, v1  }
0x143: {  	v3 =	vsel vm1, $0x2, v10;
	vm0 =	vgt.f32 v4, v8  }
0x144: {  	vm1 =	vgt.f32 v4, v1;
	v8 =	vsel vm0, v4, v8;
	v2 =	vsel vm0, $0x3, v2  }
0x145: {  	v8 =	vsel vm1, v1, v8;
	v2 =	vsel vm1, v3, v2;
	v1 =	vsel vm1, v4, v1  }
0x146: {  	v3 =	vsel vm1, $0x3, v3;
	vm0 =	vgt.f32 v5, v8  }
0x147: {  	vm1 =	vgt.f32 v5, v1;
	v4 =	vsel vm0, v5, v8;
	v2 =	vsel vm0, $0x4, v2  }
0x148: {  	v4 =	vsel vm1, v1, v4;
	v2 =	vsel vm1, v3, v2;
	v1 =	vsel vm1, v5, v1  }
0x149: {  	v3 =	vsel vm1, $0x4, v3;
	vm0 =	vgt.f32 v6, v4  }
0x14a: {  	vm1 =	vgt.f32 v6, v1;
	v4 =	vsel vm0, v6, v4;
	v2 =	vsel vm0, $0x5, v2  }
0x14b: {  	v4 =	vsel vm1, v1, v4;
	v2 =	vsel vm1, v3, v2;
	v1 =	vsel vm1, v6, v1  }
0x14c: {  	v3 =	vsel vm1, $0x5, v3;
	vm0 =	vgt.f32 v7, v4  }
0x14d: {  	vm1 =	vgt.f32 v7, v1;
	v4 =	vsel vm0, v7, v4;
	v2 =	vsel vm0, $0x6, v2  }
0x14e: {  	v4 =	vsel vm1, v1, v4;
	v2 =	vsel vm1, v3, v2;
	v1 =	vsel vm1, v7, v1  }
0x14f: {  	v3 =	vsel vm1, $0x6, v3;
	vm0 =	vgt.f32 v9, v4  }
0x150: {  	vm1 =	vgt.f32 v9, v1;
	v4 =	vsel vm0, v9, v4;
	v2 =	vsel vm0, $0x7, v2  }
0x151: {  	s24 =	sor.u32 s24, s17;
	v4 =	vsel vm1, v1, v4;
	v2 =	vsel vm1, v3, v2;
	v1 =	vsel vm1, v9, v1  }
0x152: {  	v3 =	vsel vm1, $0x7, v3;
	v1 =	vsub.f32 v4, v1;
	[tilespmem:s24+$0x2C00] =	vst v2  }
0x153: {  	[tilespmem:s24+$0x2800] =	vst v3  }
0x154: {  	v1 =	vmul.f32 $1.442695020e+00, v1;
	_ =	sdelay $0x1  }
0x155: {  	(erf) = vpow2.f32 v1;
	_ =	sdelay $0x8  }
0x156: {  	v1 =	vpop (erf)  }
0x157: {  	v1 =	vadd.f32 $1.000000000e+00, v1;
	_ =	sdelay $0x1  }
0x158: {  	(erf) = vrcp.f32 v1;
	_ =	sdelay $0x6  }
.Ltmp0:
0x159: {  	(pc) =	sbr.rel @p0 .LBB2_2-.Ltmp0, $4  }
0x15a: {  	_ = 	snop  }
0x15b: {  	s18 =	sadd.s32 $0x40, s18;
	v1 =	vpop (erf)  }
0x15c: {  	s23 =	sadd.s32 $0x200, s23;
	s19 =	sadd.s32 $0x40, s19;
	s15 =	sadd.s32 $0x40, s15;
	[tilespmem:s24+$0x2000] =	vst v1;
	v1 =	vsub.f32 $1.000000000e+00, v1  }
0x15d: {  	s20 =	sadd.s32 $0x40, s20;
	s17 =	sand.u32 $0x40, s15;
	s16 =	sand.u32 $0x1C00, s23  }
0x15e: {  	s22 =	sor.u32 s17, s16;
	[tilespmem:s24+$0x2400] =	vst v1  }
0x15f: {  	v1 =	vld [tilespmem:s22+$0x80]  }
0x160: {  	v2 =	vld [tilespmem:s22+$0x0];
	_ =	sdelay $0x2  }
0x161: {  	v3 =	vld [tilespmem:s22+$0x100]  }
0x162: {  	vm1 =	vlt.f32 v1, $-Inf;
	vm2 =	vgt.f32 v1, $-Inf  }
0x163: {  	vm0 =	vgt.f32 v1, v2;
	vm1 =	vmor vm2, vm1  }
0x164: {  	v5 =	vld [tilespmem:s22+$0x180];
	vm2 =	vmneg vm0;
	v4 =	vnsel vm1, $0xFF800000, v1  }
0x165: {  	v4 =	vsel vm2, v4, v2  }
0x166: {  	v1 =	vsel vm2, v2, v1;
	vm4 =	vgt.f32 v3, v4  }
0x167: {  	v47 =	vld [tilespmem:s22+$0x200];
	vm3 =	vgt.f32 v3, v1;
	v2 =	vsel vm4, v3, v4  }
0x168: {  	v2 =	vsel vm3, v1, v2  }
0x169: {  	v1 =	vsel vm3, v3, v1;
	vm6 =	vgt.f32 v5, v2  }
0x16a: {  	v3 =	vld [tilespmem:s22+$0x280];
	vm5 =	vgt.f32 v5, v1;
	v2 =	vsel vm6, v5, v2  }
0x16b: {  	v2 =	vsel vm5, v1, v2  }
0x16c: {  	v1 =	vsel vm5, v5, v1;
	vm8 =	vgt.f32 v47, v2  }
0x16d: {  	v48 =	vld [tilespmem:s22+$0x300];
	vm7 =	vgt.f32 v47, v1;
	v2 =	vsel vm8, v47, v2  }
0x16e: {  	v2 =	vsel vm7, v1, v2  }
0x16f: {  	v1 =	vsel vm7, v47, v1;
	vm12 =	vgt.f32 v3, v2  }
0x170: {  	v49 =	vld [tilespmem:s22+$0x380];
	vm9 =	vgt.f32 v3, v1;
	v2 =	vsel vm12, v3, v2  }
0x171: {  	v2 =	vsel vm9, v1, v2  }
0x172: {  	v1 =	vsel vm9, v3, v1;
	vm13 =	vgt.f32 v48, v2  }
0x173: {  	vm10 =	vgt.f32 v48, v1;
	v2 =	vsel vm13, v48, v2  }
0x174: {  	v2 =	vsel vm10, v1, v2  }
0x175: {  	v1 =	vsel vm10, v48, v1;
	vm14 =	vgt.f32 v49, v2  }
0x176: {  	vm11 =	vgt.f32 v49, v1;
	v2 =	vsel vm14, v49, v2  }
0x177: {  	v2 =	vsel vm11, v1, v2;
	v1 =	vsel vm11, v49, v1  }
0x178: {  	v1 =	vsub.f32 v2, v1;
	_ =	sdelay $0x1  }
0x179: {  	v1 =	vmul.f32 $1.442695020e+00, v1;
	_ =	sdelay $0x1  }
0x17a: {  	(erf) = vpow2.f32 v1;
	_ =	sdelay $0x8  }
0x17b: {  	v1 =	vpop (erf)  }
0x17c: {  	v1 =	vadd.f32 $1.000000000e+00, v1;
	_ =	sdelay $0x1  }
0x17d: {  	vm1 =	vmand vm2, vm1;
	(erf) = vrcp.f32 v1  }
0x17e: {  	v1 =	vsel vm1, $0x1, v0  }
0x17f: {  	v2 =	vsel vm0, $0x1, v0;
	v1 =	vsel vm4, $0x2, v1  }
0x180: {  	v1 =	vsel vm3, v2, v1  }
0x181: {  	v2 =	vsel vm3, $0x2, v2;
	v1 =	vsel vm6, $0x3, v1  }
0x182: {  	v1 =	vsel vm5, v2, v1  }
0x183: {  	v2 =	vsel vm5, $0x3, v2;
	v1 =	vsel vm8, $0x4, v1  }
0x184: {  	v1 =	vsel vm7, v2, v1  }
0x185: {  	v2 =	vsel vm7, $0x4, v2;
	v1 =	vsel vm12, $0x5, v1  }
0x186: {  	v1 =	vsel vm9, v2, v1;
	v3 =	vpop (erf)  }
0x187: {  	s21 =	sadd.s32 $0x40, s21;
	v2 =	vsel vm9, $0x5, v2;
	v1 =	vsel vm13, $0x6, v1;
	v50 =	vsub.f32 $1.000000000e+00, v3  }
0x188: {  	v1 =	vsel vm10, v2, v1;
	v2 =	vsel vm10, $0x6, v2;
	[tilespmem:s21+$0x0] =	vst v3  }
0x189: {  	v1 =	vsel vm14, $0x7, v1;
	v3 =	vsel vm11, $0x7, v2;
	[tilespmem:s20+$0x0] =	vst v50  }
0x18a: {  	s25 =	sor.u32 $0x10, s17;
	v1 =	vsel vm11, v2, v1;
	[tilespmem:s19+$0x0] =	vst v3  }
0x18b: {  	s26 =	sor.u32 s25, s16;
	[tilespmem:s18+$0x0] =	vst v1  }
0x18c: {  	v1 =	vld [tilespmem:s26+$0x80]  }
0x18d: {  	v2 =	vld [tilespmem:s26+$0x0];
	_ =	sdelay $0x2  }
0x18e: {  	v3 =	vld [tilespmem:s26+$0x100]  }
0x18f: {  	vm13 =	vlt.f32 v1, $-Inf;
	vm14 =	vgt.f32 v1, $-Inf  }
0x190: {  	vm0 =	vgt.f32 v1, v2;
	vm1 =	vmor vm14, vm13  }
0x191: {  	v52 =	vld [tilespmem:s26+$0x180];
	vm3 =	vmneg vm0;
	v51 =	vnsel vm1, $0xFF800000, v1  }
0x192: {  	v4 =	vsel vm3, v51, v2  }
0x193: {  	v1 =	vsel vm3, v2, v1;
	vm5 =	vgt.f32 v3, v4  }
0x194: {  	v53 =	vld [tilespmem:s26+$0x200];
	vm2 =	vgt.f32 v3, v1;
	v2 =	vsel vm5, v3, v4  }
0x195: {  	v2 =	vsel vm2, v1, v2  }
0x196: {  	v1 =	vsel vm2, v3, v1;
	vm6 =	vgt.f32 v52, v2  }
0x197: {  	v3 =	vld [tilespmem:s26+$0x280];
	vm4 =	vgt.f32 v52, v1;
	v2 =	vsel vm6, v52, v2  }
0x198: {  	v2 =	vsel vm4, v1, v2  }
0x199: {  	v1 =	vsel vm4, v52, v1;
	vm8 =	vgt.f32 v53, v2  }
0x19a: {  	v54 =	vld [tilespmem:s26+$0x300];
	vm7 =	vgt.f32 v53, v1;
	v2 =	vsel vm8, v53, v2  }
0x19b: {  	v2 =	vsel vm7, v1, v2  }
0x19c: {  	v1 =	vsel vm7, v53, v1;
	vm10 =	vgt.f32 v3, v2  }
0x19d: {  	v55 =	vld [tilespmem:s26+$0x380];
	vm9 =	vgt.f32 v3, v1;
	v2 =	vsel vm10, v3, v2  }
0x19e: {  	v2 =	vsel vm9, v1, v2  }
0x19f: {  	v1 =	vsel vm9, v3, v1;
	vm12 =	vgt.f32 v54, v2  }
0x1a0: {  	vm13 =	vgt.f32 v54, v1;
	v2 =	vsel vm12, v54, v2  }
0x1a1: {  	v2 =	vsel vm13, v1, v2  }
0x1a2: {  	v1 =	vsel vm13, v54, v1;
	vm14 =	vgt.f32 v55, v2  }
0x1a3: {  	vm15 =	vgt.f32 v55, v1;
	v2 =	vsel vm14, v55, v2  }
0x1a4: {  	v2 =	vsel vm15, v1, v2;
	v1 =	vsel vm15, v55, v1  }
0x1a5: {  	v1 =	vsub.f32 v2, v1;
	_ =	sdelay $0x1  }
0x1a6: {  	v1 =	vmul.f32 $1.442695020e+00, v1;
	_ =	sdelay $0x1  }
0x1a7: {  	(erf) = vpow2.f32 v1;
	_ =	sdelay $0x4  }
0x1a8: {  	vm1 =	vmand vm3, vm1  }
0x1a9: {  	v1 =	vsel vm1, $0x1, v0  }
0x1aa: {  	v2 =	vsel vm0, $0x1, v0;
	v1 =	vsel vm5, $0x2, v1  }
0x1ab: {  	v1 =	vsel vm2, v2, v1  }
0x1ac: {  	v2 =	vsel vm2, $0x2, v2;
	v1 =	vsel vm6, $0x3, v1;
	v3 =	vpop (erf)  }
0x1ad: {  	v1 =	vsel vm4, v2, v1;
	v3 =	vadd.f32 $1.000000000e+00, v3  }
0x1ae: {  	v2 =	vsel vm4, $0x3, v2;
	v1 =	vsel vm8, $0x4, v1  }
0x1af: {  	v1 =	vsel vm7, v2, v1;
	(erf) = vrcp.f32 v3  }
0x1b0: {  	v2 =	vsel vm7, $0x4, v2;
	v1 =	vsel vm10, $0x5, v1  }
0x1b1: {  	v1 =	vsel vm9, v2, v1  }
0x1b2: {  	v2 =	vsel vm9, $0x5, v2;
	v1 =	vsel vm12, $0x6, v1  }
0x1b3: {  	v1 =	vsel vm13, v2, v1  }
0x1b4: {  	v2 =	vsel vm13, $0x6, v2;
	v1 =	vsel vm14, $0x7, v1  }
0x1b5: {  	v1 =	vsel vm15, v2, v1  }
0x1b6: {  	s15 =	sand.u32 $0x380, s15  }
0x1b7: {  	s19 =	sor.u32 s15, s25  }
0x1b8: {  	[tilespmem:s19+$0x2C00] =	vst v1;
	v1 =	vpop (erf)  }
0x1b9: {  	v2 =	vsel vm15, $0x7, v2;
	[tilespmem:s19+$0x2000] =	vst v1;
	v1 =	vsub.f32 $1.000000000e+00, v1  }
0x1ba: {  	s28 =	sor.u32 $0x20, s17;
	[tilespmem:s19+$0x2800] =	vst v2  }
0x1bb: {  	s29 =	sor.u32 s28, s16;
	[tilespmem:s19+$0x2400] =	vst v1  }
0x1bc: {  	v1 =	vld [tilespmem:s29+$0x80]  }
0x1bd: {  	v2 =	vld [tilespmem:s29+$0x0];
	_ =	sdelay $0x2  }
0x1be: {  	v3 =	vld [tilespmem:s29+$0x100]  }
0x1bf: {  	vm12 =	vlt.f32 v1, $-Inf;
	vm13 =	vgt.f32 v1, $-Inf  }
0x1c0: {  	vm0 =	vgt.f32 v1, v2;
	vm1 =	vmor vm13, vm12  }
0x1c1: {  	v57 =	vld [tilespmem:s29+$0x180];
	vm3 =	vmneg vm0;
	v56 =	vnsel vm1, $0xFF800000, v1  }
0x1c2: {  	v4 =	vsel vm3, v56, v2  }
0x1c3: {  	v1 =	vsel vm3, v2, v1;
	vm5 =	vgt.f32 v3, v4  }
0x1c4: {  	v58 =	vld [tilespmem:s29+$0x200];
	vm2 =	vgt.f32 v3, v1;
	v2 =	vsel vm5, v3, v4  }
0x1c5: {  	v2 =	vsel vm2, v1, v2  }
0x1c6: {  	v1 =	vsel vm2, v3, v1;
	vm6 =	vgt.f32 v57, v2  }
0x1c7: {  	v3 =	vld [tilespmem:s29+$0x280];
	vm4 =	vgt.f32 v57, v1;
	v2 =	vsel vm6, v57, v2  }
0x1c8: {  	v2 =	vsel vm4, v1, v2  }
0x1c9: {  	v1 =	vsel vm4, v57, v1;
	vm8 =	vgt.f32 v58, v2  }
0x1ca: {  	v59 =	vld [tilespmem:s29+$0x300];
	vm7 =	vgt.f32 v58, v1;
	v2 =	vsel vm8, v58, v2  }
0x1cb: {  	v2 =	vsel vm7, v1, v2  }
0x1cc: {  	v1 =	vsel vm7, v58, v1;
	vm10 =	vgt.f32 v3, v2  }
0x1cd: {  	v60 =	vld [tilespmem:s29+$0x380];
	vm9 =	vgt.f32 v3, v1;
	v2 =	vsel vm10, v3, v2  }
0x1ce: {  	v2 =	vsel vm9, v1, v2  }
0x1cf: {  	v1 =	vsel vm9, v3, v1;
	vm11 =	vgt.f32 v59, v2  }
0x1d0: {  	vm12 =	vgt.f32 v59, v1;
	v2 =	vsel vm11, v59, v2  }
0x1d1: {  	v2 =	vsel vm12, v1, v2  }
0x1d2: {  	v1 =	vsel vm12, v59, v1;
	vm13 =	vgt.f32 v60, v2  }
0x1d3: {  	vm14 =	vgt.f32 v60, v1;
	v2 =	vsel vm13, v60, v2  }
0x1d4: {  	v2 =	vsel vm14, v1, v2;
	v1 =	vsel vm14, v60, v1  }
0x1d5: {  	v1 =	vsub.f32 v2, v1;
	_ =	sdelay $0x1  }
0x1d6: {  	v1 =	vmul.f32 $1.442695020e+00, v1;
	_ =	sdelay $0x1  }
0x1d7: {  	(erf) = vpow2.f32 v1;
	_ =	sdelay $0x4  }
0x1d8: {  	vm1 =	vmand vm3, vm1  }
0x1d9: {  	v1 =	vsel vm1, $0x1, v0  }
0x1da: {  	v2 =	vsel vm0, $0x1, v0;
	v1 =	vsel vm5, $0x2, v1  }
0x1db: {  	v1 =	vsel vm2, v2, v1  }
0x1dc: {  	v2 =	vsel vm2, $0x2, v2;
	v1 =	vsel vm6, $0x3, v1;
	v3 =	vpop (erf)  }
0x1dd: {  	v1 =	vsel vm4, v2, v1;
	v3 =	vadd.f32 $1.000000000e+00, v3  }
0x1de: {  	v2 =	vsel vm4, $0x3, v2;
	v1 =	vsel vm8, $0x4, v1  }
0x1df: {  	v1 =	vsel vm7, v2, v1;
	(erf) = vrcp.f32 v3  }
0x1e0: {  	v2 =	vsel vm7, $0x4, v2;
	v1 =	vsel vm10, $0x5, v1  }
0x1e1: {  	v1 =	vsel vm9, v2, v1  }
0x1e2: {  	v2 =	vsel vm9, $0x5, v2;
	v1 =	vsel vm11, $0x6, v1  }
0x1e3: {  	v1 =	vsel vm12, v2, v1  }
0x1e4: {  	v2 =	vsel vm12, $0x6, v2;
	v1 =	vsel vm13, $0x7, v1  }
0x1e5: {  	v1 =	vsel vm14, v2, v1;
	_ =	sdelay $0x1  }
0x1e6: {  	s18 =	sor.u32 s15, s28  }
0x1e7: {  	v2 =	vsel vm14, $0x7, v2;
	[tilespmem:s18+$0x2C00] =	vst v1;
	v1 =	vpop (erf)  }
0x1e8: {  	[tilespmem:s18+$0x2800] =	vst v2;
	v2 =	vsub.f32 $1.000000000e+00, v1  }
0x1e9: {  	s30 =	sor.u32 $0x30, s17;
	[tilespmem:s18+$0x2000] =	vst v1  }
0x1ea: {  	s31 =	sor.u32 s30, s16;
	[tilespmem:s18+$0x2400] =	vst v2  }
0x1eb: {  	v1 =	vld [tilespmem:s31+$0x80]  }
0x1ec: {  	v2 =	vld [tilespmem:s31+$0x0];
	_ =	sdelay $0x2  }
0x1ed: {  	v3 =	vld [tilespmem:s31+$0x100]  }
0x1ee: {  	vm14 =	vlt.f32 v1, $-Inf;
	vm15 =	vgt.f32 v1, $-Inf  }
0x1ef: {  	vm0 =	vgt.f32 v1, v2;
	vm1 =	vmor vm15, vm14  }
0x1f0: {  	v61 =	vld [tilespmem:s31+$0x180];
	vm3 =	vmneg vm0;
	v62 =	vnsel vm1, $0xFF800000, v1  }
0x1f1: {  	v5 =	vsel vm3, v62, v2  }
0x1f2: {  	v1 =	vsel vm3, v2, v1;
	vm4 =	vgt.f32 v3, v5  }
0x1f3: {  	v2 =	vld [tilespmem:s31+$0x200];
	vm2 =	vgt.f32 v3, v1;
	v5 =	vsel vm4, v3, v5  }
0x1f4: {  	v5 =	vsel vm2, v1, v5  }
0x1f5: {  	v1 =	vsel vm2, v3, v1;
	vm6 =	vgt.f32 v61, v5  }
0x1f6: {  	v3 =	vld [tilespmem:s31+$0x280];
	vm5 =	vgt.f32 v61, v1;
	v5 =	vsel vm6, v61, v5  }
0x1f7: {  	v5 =	vsel vm5, v1, v5  }
0x1f8: {  	v1 =	vsel vm5, v61, v1;
	vm7 =	vgt.f32 v2, v5  }
0x1f9: {  	v63 =	vld [tilespmem:s31+$0x300];
	vm8 =	vgt.f32 v2, v1;
	v5 =	vsel vm7, v2, v5  }
0x1fa: {  	v5 =	vsel vm8, v1, v5  }
0x1fb: {  	v1 =	vsel vm8, v2, v1;
	vm9 =	vgt.f32 v3, v5  }
0x1fc: {  	v2 =	vld [tilespmem:s31+$0x380];
	vm10 =	vgt.f32 v3, v1;
	v5 =	vsel vm9, v3, v5  }
0x1fd: {  	v5 =	vsel vm10, v1, v5  }
0x1fe: {  	v1 =	vsel vm10, v3, v1;
	vm11 =	vgt.f32 v63, v5  }
0x1ff: {  	vm12 =	vgt.f32 v63, v1;
	v3 =	vsel vm11, v63, v5  }
0x200: {  	v3 =	vsel vm12, v1, v3  }
0x201: {  	v1 =	vsel vm12, v63, v1;
	vm13 =	vgt.f32 v2, v3  }
0x202: {  	vm14 =	vgt.f32 v2, v1;
	v3 =	vsel vm13, v2, v3  }
0x203: {  	v3 =	vsel vm14, v1, v3;
	v1 =	vsel vm14, v2, v1  }
0x204: {  	v1 =	vsub.f32 v3, v1;
	_ =	sdelay $0x1  }
0x205: {  	v1 =	vmul.f32 $1.442695020e+00, v1;
	_ =	sdelay $0x1  }
0x206: {  	(erf) = vpow2.f32 v1;
	_ =	sdelay $0x4  }
0x207: {  	vm1 =	vmand vm3, vm1  }
0x208: {  	v1 =	vsel vm1, $0x1, v0  }
0x209: {  	v2 =	vsel vm0, $0x1, v0;
	v1 =	vsel vm4, $0x2, v1  }
0x20a: {  	v1 =	vsel vm2, v2, v1  }
0x20b: {  	v2 =	vsel vm2, $0x2, v2;
	v1 =	vsel vm6, $0x3, v1;
	v3 =	vpop (erf)  }
0x20c: {  	v1 =	vsel vm5, v2, v1;
	v3 =	vadd.f32 $1.000000000e+00, v3  }
0x20d: {  	v2 =	vsel vm5, $0x3, v2;
	v1 =	vsel vm7, $0x4, v1  }
0x20e: {  	v1 =	vsel vm8, v2, v1;
	(erf) = vrcp.f32 v3  }
0x20f: {  	v2 =	vsel vm8, $0x4, v2;
	v1 =	vsel vm9, $0x5, v1  }
0x210: {  	v1 =	vsel vm10, v2, v1  }
0x211: {  	v2 =	vsel vm10, $0x5, v2;
	v1 =	vsel vm11, $0x6, v1  }
0x212: {  	v1 =	vsel vm12, v2, v1  }
0x213: {  	v2 =	vsel vm12, $0x6, v2;
	v1 =	vsel vm13, $0x7, v1  }
0x214: {  	v1 =	vsel vm14, v2, v1;
	_ =	sdelay $0x1  }
0x215: {  	s15 =	sor.u32 s15, s30  }
0x216: {  	v2 =	vsel vm14, $0x7, v2;
	[tilespmem:s15+$0x2C00] =	vst v1;
	v1 =	vpop (erf)  }
0x217: {  	[tilespmem:s15+$0x2800] =	vst v2;
	v2 =	vsub.f32 $1.000000000e+00, v1  }
0x218: {  	[tilespmem:s15+$0x2000] =	vst v1  }
0x219: {  	[tilespmem:s15+$0x2400] =	vst v2  }
0x21a: {  	[hbm4b:s4+s2] =	stream.linear.scatter [tilespmem:s10], [sflag:$0x1], $0x400, $0x38;
	[tilespmem:$0x3000] =	vst v63  }
0x21b: {  	_ = 	snop  }
0x21c: {  	[hbm4b:s5+s2] =	stream.linear.scatter [tilespmem:s11], [sflag:$0x1], $0x400, $0x38;
	[tilespmem:$0x3000] =	vst v63  }
0x21d: {  	_ = 	snop  }
0x21e: {  	[hbm4b:s6+s2] =	stream.linear.scatter [tilespmem:s12], [sflag:$0x1], $0x400, $0x38;
	[tilespmem:$0x3000] =	vst v63  }
0x21f: {  	_ = 	snop  }
0x220: {  	[hbm4b:s7+s2] =	stream.linear.scatter [tilespmem:s13], [sflag:$0x1], $0x400, $0x38;
	[tilespmem:$0x3000] =	vst v63  }
0x221: {  	_ =	swait.ge [sflag:s9], $0x400  }
0x222: {  	[sflag:s9] =	ssyncset.done $0x0  }
0x223: {  	[sflag:s9] =	ssyncadd.s32 $0xFFFFFC00  }
0x224: {  	_ =	swait.ge [sflag:s9], $0x400  }
0x225: {  	[sflag:s9] =	ssyncset.done $0x0  }
0x226: {  	s14 =	sadd.s32 $0x1, s14;
	[sflag:s9] =	ssyncadd.s32 $0xFFFFFC00  }
0x227: {  	p0 =	sne.s32 s14, s8;
	_ =	swait.ge [sflag:s9], $0x400  }
.Ltmp1:
0x228: {  	[sflag:s9] =	ssyncset.done $0x0;
	(pc) =	sbr.rel @p0 .LBB2_1-.Ltmp1, $4  }
0x229: {  	[sflag:s9] =	ssyncadd.s32 $0xFFFFFC00  }
0x22a: {  	_ =	swait.ge [sflag:s9], $0x400  }
0x22b: {  	[sflag:s9] =	ssyncset.done $0x0  }
0x22c: {  	[sflag:s9] =	ssyncadd.s32 $0xFFFFFC00  }
0x22d: {  	_ =	sfence.sel $0x180000  }
0x22e: {  	[bflag:$0x0] =	sbarrier.arrive $0xFFFF  }
0x22f: {  	p0 =	sne.s32 s1, $0x0;
	_ =	strace $0x90000047  }
0x230: {  	s0 =	sadd.s32 @!p0 $0x100000, s0;
	[bflag:$0x2] =	sbarrier.arrive $0xFFFF  }
0x231: {  	[sflag:s0] =	ssyncadd.tile.s32 @!p0 $0x1;
	_ =	shalt  }
.Lfunc_end2:
_tile_overlayer_lowered:
.L_overlay_start_2:
0x232: {  	(tag) =	ssettag $0x2  }
0x233: {  	s0 =	rddreg [dreg:$0x0];
	s2 =	stileid.u32  }
0x234: {  	s1 =	rddreg [dreg:$0x1];
	p0 =	sne.s32 s2, $0x0  }
0x235: {  	s3 =	rddreg [dreg:$0x2];
	[bflag:$0x3] =	sbarrier.arrive $0xFFFF;
	s2 =	simm.s32 @!p0 $0x1C02  }
0x236: {  	[timem:s3], [sflag:s2] =	dma.local @!p0 [hbm:s0], s1  }
0x237: {  	s0 =	simm.s32 @!p0 $0x2  }
0x238: {  	_ =	swait.ge @!p0 [sflag:s0], s1  }
0x239: {  	s1 =	ssub.s32 @!p0 $0x0, s1;
	[sflag:s0] =	ssyncset.done @!p0 $0x0  }
0x23a: {  	[sflag:s0] =	ssyncadd.s32 @!p0 s1  }
0x23b: {  	[bflag:$0x3] =	sbarrier.arrive $0xFFFF  }
0x23c: {  	_ =	shalt  }

</sc_bundles>
